<compile_context>
chip_gen: v7x
topology: tpu7x:2x2x1
jax: 0.10.2.dev20260603
libtpu: 0.0.44.dev20260713+nightly
codegen_flags: <defaults>
</compile_context>

<pallas_src>
import functools

import jax
import jax.numpy as jnp
from jax import lax
from jax.experimental import pallas as pl
from jax.experimental.pallas import tpu as pltpu
from jax.experimental.pallas import tpu_sc as plsc

N = 50000
D = 64
H = 64
G = 128
HALF = 32
NC = 2
NS = 16
LANES = 128
K = 4
KD = 8
DW = 8
N_PAD = 50048
ROWS_PER_TILE = N_PAD // NS
BLK = 3128
NBLK = N_PAD // BLK


def _feat_body(xcat, src2, dstr, z32, agg2,
               srcQ, dstQ, rows_v, acc_sh, isem0, isem1, gsem, ssem):
    c = lax.axis_index("c")
    s = lax.axis_index("s")
    rows_e_tile = src2.shape[1] // NS
    n_super = rows_e_tile // K
    base = s * rows_e_tile

    r0 = s * ROWS_PER_TILE
    pltpu.sync_copy(z32.at[pl.ds(r0, ROWS_PER_TILE)],
                    acc_sh.at[pl.ds(r0, ROWS_PER_TILE)])
    plsc.subcore_barrier()

    def fire_idx(g, slot, sem):
        row0 = base + g * K
        pltpu.async_copy(src2.at[c, pl.ds(row0, K)], srcQ.at[slot], sem)
        pltpu.async_copy(dstr.at[pl.ds(row0, K)], dstQ.at[slot], sem)

    def wait_idx(slot, sem):
        pltpu.make_async_copy(
            src2.at[c, pl.ds(base, K)], srcQ.at[slot], sem).wait()
        pltpu.make_async_copy(
            dstr.at[pl.ds(base, K)], dstQ.at[slot], sem).wait()

    def run_chunk(slot):
        descs = [pltpu.async_copy(
            xcat.at[srcQ.at[slot, j]],
            rows_v.at[pl.ds(j * LANES, LANES)], gsem) for j in range(K)]
        sdescs = []
        for j in range(K):
            descs[j].wait()
            sdescs.append(pltpu.async_copy(
                rows_v.at[pl.ds(j * LANES, LANES)],
                acc_sh.at[dstQ.at[slot, j]], ssem, add=True))
        return sdescs

    def wait_all(sdescs):
        for d_ in sdescs:
            d_.wait()

    fire_idx(0, 0, isem0)

    def super2(p, carry):
        g0 = 2 * p
        fire_idx(g0 + 1, 1, isem1)
        wait_idx(0, isem0)
        sd0 = run_chunk(0)
        wait_idx(1, isem1)
        wait_all(sd0)
        fire_idx(lax.rem(g0 + 2, n_super), 0, isem0)
        sd1 = run_chunk(1)
        wait_all(sd1)
        return carry

    lax.fori_loop(0, n_super // 2, super2, 0)
    wait_idx(0, isem0)
    plsc.subcore_barrier()

    pltpu.sync_copy(acc_sh.at[pl.ds(r0, ROWS_PER_TILE)],
                    agg2.at[c, pl.ds(r0, ROWS_PER_TILE)])


def _deg_body(dst3, zdeg, ones8, dego,
              dst_v, ones_v, deg_sh, dsem):
    c = lax.axis_index("c")
    s = lax.axis_index("s")
    rows_tile = dst3.shape[1] // NS
    n_chunks = rows_tile // KD

    pltpu.sync_copy(ones8, ones_v)
    r0 = s * ROWS_PER_TILE
    pltpu.sync_copy(zdeg.at[pl.ds(r0, ROWS_PER_TILE)],
                    deg_sh.at[pl.ds(r0, ROWS_PER_TILE)])
    plsc.subcore_barrier()

    def chunk(g, carry):
        row0 = s * rows_tile + g * KD
        pltpu.sync_copy(dst3.at[c, pl.ds(row0, KD)], dst_v)
        descs = []
        for j in range(KD):
            descs.append(pltpu.async_copy(
                ones_v, deg_sh.at[dst_v.at[j]], dsem, add=True))
        for d_ in descs:
            d_.wait()
        return carry

    lax.fori_loop(0, n_chunks, chunk, 0)
    plsc.subcore_barrier()

    pltpu.sync_copy(deg_sh.at[pl.ds(r0, ROWS_PER_TILE)],
                    dego.at[c, pl.ds(r0, ROWS_PER_TILE)])


def _sc_aggregate(xcat, src2, dstr, dst3):
    mesh = plsc.VectorSubcoreMesh(core_axis_name="c", subcore_axis_name="s")
    z32 = jnp.zeros((N_PAD, HALF), jnp.float32)
    feat = pl.kernel(
        _feat_body,
        out_type=jax.ShapeDtypeStruct((NC, N_PAD, HALF), jnp.float32),
        mesh=mesh,
        compiler_params=pltpu.CompilerParams(use_tc_tiling_on_sc=False),
        scratch_types=[
            pltpu.VMEM((2, K, LANES), jnp.int32),
            pltpu.VMEM((2, K, LANES), jnp.int32),
            pltpu.VMEM((K * LANES, HALF), jnp.float32),
            pltpu.VMEM_SHARED((N_PAD, HALF), jnp.float32),
            pltpu.SemaphoreType.DMA,
            pltpu.SemaphoreType.DMA,
            pltpu.SemaphoreType.DMA,
            pltpu.SemaphoreType.DMA,
        ],
    )
    agg2 = feat(xcat, src2, dstr, z32)

    zdeg = jnp.zeros((N_PAD, DW), jnp.float32)
    ones8 = jnp.ones((LANES, DW), jnp.float32)
    deg = pl.kernel(
        _deg_body,
        out_type=jax.ShapeDtypeStruct((NC, N_PAD, DW), jnp.float32),
        mesh=mesh,
        compiler_params=pltpu.CompilerParams(use_tc_tiling_on_sc=False),
        scratch_types=[
            pltpu.VMEM((KD, LANES), jnp.int32),
            pltpu.VMEM((LANES, DW), jnp.float32),
            pltpu.VMEM_SHARED((N_PAD, DW), jnp.float32),
            pltpu.SemaphoreType.DMA,
        ],
    )
    dego = deg(dst3, zdeg, ones8)
    return agg2, dego


def _tc_body(a2_ref, deg_ref, batch_ref, wg_ref, bg_ref, w1_ref, b1_ref,
             w2_ref, b2_ref, out_ref, g_acc, c_acc):
    i = pl.program_id(0)
    a = a2_ref[...]
    d = deg_ref[...]
    deg = d[0, :, 0:1] + d[1, :, 0:1]
    inv = 1.0 / jnp.maximum(deg, 1.0)
    n0 = a[0] * inv
    n1 = a[1] * inv
    h = n0 @ wg_ref[0:HALF, :] + n1 @ wg_ref[HALF:D, :] + bg_ref[...]
    h = jnp.maximum(h, 0.0)
    b_ids = batch_ref[...]
    oh = (b_ids == lax.broadcasted_iota(jnp.int32, (BLK, G), 1))
    oh = oh.astype(jnp.float32)
    g_part = lax.dot_general(oh, h, (((0,), (0,)), ((), ())))
    c_part = lax.dot_general(oh, jnp.ones((BLK, 1), jnp.float32),
                             (((0,), (0,)), ((), ())))

    @pl.when(i == 0)
    def _():
        g_acc[...] = jnp.zeros_like(g_acc)
        c_acc[...] = jnp.zeros_like(c_acc)

    g_acc[...] += g_part
    c_acc[...] += c_part

    @pl.when(i == NBLK - 1)
    def _():
        gm = g_acc[...] / jnp.maximum(c_acc[...], 1.0)
        t = jnp.maximum(gm @ w1_ref[...] + b1_ref[...], 0.0)
        out_ref[...] = t @ w2_ref[...] + b2_ref[...]


def _tc_head(agg2, dego, batchp, Wg, bg, W1, b1, W2, b2):
    return pl.pallas_call(
        _tc_body,
        grid=(NBLK,),
        in_specs=[
            pl.BlockSpec((NC, BLK, HALF), lambda i: (0, i, 0)),
            pl.BlockSpec((NC, BLK, DW), lambda i: (0, i, 0)),
            pl.BlockSpec((BLK, 1), lambda i: (i, 0)),
            pl.BlockSpec((D, H), lambda i: (0, 0)),
            pl.BlockSpec((1, H), lambda i: (0, 0)),
            pl.BlockSpec((H, H), lambda i: (0, 0)),
            pl.BlockSpec((1, H), lambda i: (0, 0)),
            pl.BlockSpec((H, H), lambda i: (0, 0)),
            pl.BlockSpec((1, H), lambda i: (0, 0)),
        ],
        out_specs=pl.BlockSpec((G, H), lambda i: (0, 0)),
        out_shape=jax.ShapeDtypeStruct((G, H), jnp.float32),
        scratch_shapes=[
            pltpu.VMEM((G, H), jnp.float32),
            pltpu.VMEM((G, 1), jnp.float32),
        ],
    )(agg2, dego, batchp, Wg, bg, W1, b1, W2, b2)


def kernel(x, edge_index, batch, Wg, bg, W1, b1, W2, b2):
    e = edge_index.shape[1]
    src = edge_index[0]
    dst = edge_index[1]

    chunk_a = 2 * NS * K * LANES
    e_pad_a = -(-e // chunk_a) * chunk_a
    rows_a = e_pad_a // LANES
    pad_a = e_pad_a - e
    srcp = jnp.concatenate([src, jnp.zeros((pad_a,), jnp.int32)])
    dstp = jnp.concatenate([dst, jnp.full((pad_a,), N, jnp.int32)])
    src2 = jnp.stack([2 * srcp, 2 * srcp + 1]).reshape(NC, rows_a, LANES)
    dstr = dstp.reshape(rows_a, LANES)

    chunk_b = NC * NS * KD * LANES
    e_pad_b = -(-e // chunk_b) * chunk_b
    pad_b = e_pad_b - e
    dstp_b = jnp.concatenate([dst, jnp.full((pad_b,), N, jnp.int32)])
    dst3 = dstp_b.reshape(NC, e_pad_b // (NC * LANES), LANES)

    xcat = x.reshape(2 * N, HALF)
    agg2, dego = _sc_aggregate(xcat, src2, dstr, dst3)

    batchp = jnp.concatenate(
        [batch, jnp.full((N_PAD - N,), G, jnp.int32)]).reshape(N_PAD, 1)
    return _tc_head(agg2, dego, batchp, Wg, bg.reshape(1, H),
                    W1, b1.reshape(1, H), W2, b2.reshape(1, H))

# --- scband reference (transcript-rebuilt; emitter-appended) ---
"""Pipeline reference for scband-graph-cl-23055384445689 (READ-ONLY COPY).

The authoritative reference and input builder live on the scoring server;
editing this copy changes nothing except your own understanding.
"""

import jax, jax.numpy as jnp
import numpy as np

N = 50000
E = 800000
D = 64
H = 64
G = 128


def setup_inputs(seed: int = 0) -> dict:
    key = jax.random.key(seed)
    ks = jax.random.split(key, 10)
    x = jax.random.normal(ks[0], (N, D), dtype=jnp.float32)
    edge_index = jax.random.randint(ks[1], (2, E), 0, N, dtype=jnp.int32)
    batch = jnp.sort(jax.random.randint(ks[2], (N,), 0, G, dtype=jnp.int32))
    # hgnn stand-in: one mean-aggregation GCN layer mapping d_feat -> hid_dim
    Wg = jax.random.normal(ks[3], (D, H), dtype=jnp.float32) * 0.05
    bg = jnp.zeros((H,), dtype=jnp.float32)
    # projection_head: Linear(hid,hid) -> ReLU -> Linear(hid,hid)
    W1 = jax.random.normal(ks[4], (H, H), dtype=jnp.float32) * 0.05
    b1 = jnp.zeros((H,), dtype=jnp.float32)
    W2 = jax.random.normal(ks[5], (H, H), dtype=jnp.float32) * 0.05
    b2 = jnp.zeros((H,), dtype=jnp.float32)
    return {"x": x, "edge_index": edge_index, "batch": batch,
            "Wg": Wg, "bg": bg, "W1": W1, "b1": b1, "W2": W2, "b2": b2}


def reference(x, edge_index, batch, Wg, bg, W1, b1, W2, b2):
    # GraphCL.forward_cl_gcn: x_dict = hgnn(graph, x)
    src = edge_index[0]
    dst = edge_index[1]
    msgs = jnp.take(x, src, axis=0)                      # gather neighbor feats
    agg = jax.ops.segment_sum(msgs, dst, num_segments=N)  # scatter-add to dst
    deg = jax.ops.segment_sum(jnp.ones((E,), x.dtype), dst, num_segments=N)
    agg = agg / jnp.clip(deg, 1.0, None)[:, None]
    h = jax.nn.relu(agg @ Wg + bg)
    # graph_pool('mean', x_dict, graph): per-graph mean over nodes
    counts = jax.ops.segment_sum(jnp.ones((N,), x.dtype), batch, num_segments=G)
    g = jax.ops.segment_sum(h, batch, num_segments=G) / jnp.clip(counts, 1.0, None)[:, None]
    # projection_head
    z = jax.nn.relu(g @ W1 + b1) @ W2 + b2
    return z

if __name__ == "__main__":
    import jax
    _d = setup_inputs()
    print(jax.jit(kernel)(*tuple(_d.values())))

</pallas_src>

<mosaic_0001>
#map = affine_map<(d0, d1) -> (0, 0, 0)>
#map1 = affine_map<(d0, d1) -> (0, 0)>
module attributes {stable_mosaic.version = 14 : i64} {
  func.func @_deg_body(%arg0: i32, %arg1: i32, %arg2: memref<2x3200x128xi32, #tpu.memory_space<hbm>>, %arg3: memref<50048x8xf32, #tpu.memory_space<hbm>>, %arg4: memref<128x8xf32, #tpu.memory_space<hbm>>, %arg5: memref<2x50048x8xf32, #tpu.memory_space<hbm>>, %arg6: memref<8x128xi32, #tpu.memory_space<vmem>>, %arg7: memref<128x8xf32, #tpu.memory_space<vmem>>, %arg8: memref<50048x8xf32, #tpu.memory_space<vmem_shared>>, %arg9: memref<!tpu.dma_semaphore, #tpu.memory_space<semaphore_mem>>) attributes {dimension_semantics = [#tpu.dimension_semantics<core_parallel>, #tpu.dimension_semantics<subcore_parallel>], iteration_bounds = array<i64: 2, 16>, scalar_prefetch = 0 : i64, scratch_operands = 4 : i64, tpu.core_type = #tpu.core_type<sc_vector_subcore>, window_params = [{transform_indices = #map}, {transform_indices = #map1}, {transform_indices = #map1}, {transform_indices = #map}]} {
    "tpu.region"() ({
      %run_scoped3A = tpu.sem_alloc : memref<!tpu.dma_semaphore, #tpu.memory_space<semaphore_mem>>
      tpu.enqueue_dma source(%arg4 : memref<128x8xf32, #tpu.memory_space<hbm>>) target(%arg7 : memref<128x8xf32, #tpu.memory_space<vmem>>) target_semaphore(%run_scoped3A : memref<!tpu.dma_semaphore, #tpu.memory_space<semaphore_mem>>)
      tpu.wait_dma2 semaphore(%run_scoped3A : memref<!tpu.dma_semaphore, #tpu.memory_space<semaphore_mem>>) src(%arg4 : memref<128x8xf32, #tpu.memory_space<hbm>>) dst(%arg7 : memref<128x8xf32, #tpu.memory_space<vmem>>)
      tpu.yield
    }) : () -> ()
    %mul3A = arith.constant 3128 : i32
    %mul3A_0 = arith.muli %arg1, %mul3A : i32
    "tpu.region"() ({
      %run_scoped3A = tpu.sem_alloc : memref<!tpu.dma_semaphore, #tpu.memory_space<semaphore_mem>>
      %dma_start3A = arith.constant 0 : i32
      %dma_start3A_7 = tpu.memref_slice %arg8[%mul3A_0, %dma_start3A] : memref<50048x8xf32, #tpu.memory_space<vmem_shared>> -> memref<3128x8xf32, #tpu.memory_space<vmem_shared>>
      %dma_start3A_8 = arith.constant 0 : i32
      %dma_start3A_9 = tpu.memref_slice %arg3[%mul3A_0, %dma_start3A_8] : memref<50048x8xf32, #tpu.memory_space<hbm>> -> memref<3128x8xf32, #tpu.memory_space<hbm>>
      tpu.enqueue_dma source(%dma_start3A_9 : memref<3128x8xf32, #tpu.memory_space<hbm>>) target(%dma_start3A_7 : memref<3128x8xf32, #tpu.memory_space<vmem_shared>>) target_semaphore(%run_scoped3A : memref<!tpu.dma_semaphore, #tpu.memory_space<semaphore_mem>>)
      %dma_wait3A = arith.constant 0 : i32
      %dma_wait3A_10 = tpu.memref_slice %arg8[%mul3A_0, %dma_wait3A] : memref<50048x8xf32, #tpu.memory_space<vmem_shared>> -> memref<3128x8xf32, #tpu.memory_space<vmem_shared>>
      %dma_wait3A_11 = arith.constant 0 : i32
      %dma_wait3A_12 = tpu.memref_slice %arg3[%mul3A_0, %dma_wait3A_11] : memref<50048x8xf32, #tpu.memory_space<hbm>> -> memref<3128x8xf32, #tpu.memory_space<hbm>>
      tpu.wait_dma2 semaphore(%run_scoped3A : memref<!tpu.dma_semaphore, #tpu.memory_space<semaphore_mem>>) src(%dma_wait3A_12 : memref<3128x8xf32, #tpu.memory_space<hbm>>) dst(%dma_wait3A_10 : memref<3128x8xf32, #tpu.memory_space<vmem_shared>>)
      tpu.yield
    }) : () -> ()
    %barrier3A = arith.constant 0 : index
    tpu.barrier barrier_id(%barrier3A)
    %scan3A = arith.constant 0 : i32
    %scan3A_1 = arith.constant 0 : i32
    %scan3A_2 = arith.constant 25 : i32
    %scan3A_3 = arith.addi %scan3A_1, %scan3A_2 : i32
    %scan3A_4 = arith.constant 1 : i32
    scf.for %scan3A_7 = %scan3A_1 to %scan3A_3 step %scan3A_4  : i32 {
      %mul3A_8 = arith.constant 200 : i32
      %mul3A_9 = arith.muli %arg1, %mul3A_8 : i32
      %mul3A_10 = arith.constant 8 : i32
      %mul3A_11 = arith.muli %scan3A_7, %mul3A_10 : i32
      %add3A = arith.addi %mul3A_9, %mul3A_11 : i32
      "tpu.region"() ({
        %run_scoped3A = tpu.sem_alloc : memref<!tpu.dma_semaphore, #tpu.memory_space<semaphore_mem>>
        %dma_start3A_122 = arith.constant 0 : i32
        %dma_start3A_123 = tpu.memref_slice %arg2[%arg0, %add3A, %dma_start3A_122] : memref<2x3200x128xi32, #tpu.memory_space<hbm>> -> memref<1x8x128xi32, #tpu.memory_space<hbm>>
        %dma_start3A_124 = tpu.memref_squeeze %dma_start3A_123 : memref<1x8x128xi32, #tpu.memory_space<hbm>> -> memref<8x128xi32, #tpu.memory_space<hbm>>
        %dma_start3A_125 = arith.constant 0 : i32
        %dma_start3A_126 = tpu.memref_slice %arg2[%arg0, %add3A, %dma_start3A_125] : memref<2x3200x128xi32, #tpu.memory_space<hbm>> -> memref<1x8x128xi32, #tpu.memory_space<hbm>>
        %dma_start3A_127 = tpu.memref_squeeze %dma_start3A_126 : memref<1x8x128xi32, #tpu.memory_space<hbm>> -> memref<8x128xi32, #tpu.memory_space<hbm>>
        tpu.enqueue_dma source(%dma_start3A_127 : memref<8x128xi32, #tpu.memory_space<hbm>>) target(%arg6 : memref<8x128xi32, #tpu.memory_space<vmem>>) target_semaphore(%run_scoped3A : memref<!tpu.dma_semaphore, #tpu.memory_space<semaphore_mem>>)
        %dma_wait3A_128 = arith.constant 0 : i32
        %dma_wait3A_129 = tpu.memref_slice %arg2[%arg0, %add3A, %dma_wait3A_128] : memref<2x3200x128xi32, #tpu.memory_space<hbm>> -> memref<1x8x128xi32, #tpu.memory_space<hbm>>
        %dma_wait3A_130 = tpu.memref_squeeze %dma_wait3A_129 : memref<1x8x128xi32, #tpu.memory_space<hbm>> -> memref<8x128xi32, #tpu.memory_space<hbm>>
        %dma_wait3A_131 = arith.constant 0 : i32
        %dma_wait3A_132 = tpu.memref_slice %arg2[%arg0, %add3A, %dma_wait3A_131] : memref<2x3200x128xi32, #tpu.memory_space<hbm>> -> memref<1x8x128xi32, #tpu.memory_space<hbm>>
        %dma_wait3A_133 = tpu.memref_squeeze %dma_wait3A_132 : memref<1x8x128xi32, #tpu.memory_space<hbm>> -> memref<8x128xi32, #tpu.memory_space<hbm>>
        tpu.wait_dma2 semaphore(%run_scoped3A : memref<!tpu.dma_semaphore, #tpu.memory_space<semaphore_mem>>) src(%dma_wait3A_133 : memref<8x128xi32, #tpu.memory_space<hbm>>) dst(%arg6 : memref<8x128xi32, #tpu.memory_space<vmem>>)
        tpu.yield
      }) : () -> ()
      %dma_start3A = arith.constant 0 : i32
      %dma_start3A_12 = arith.constant 0 : i32
      %dma_start3A_13 = tpu.memref_slice %arg6[%dma_start3A, %dma_start3A_12] : memref<8x128xi32, #tpu.memory_space<vmem>> -> memref<1x128xi32, #tpu.memory_space<vmem>>
      %dma_start3A_14 = tpu.memref_squeeze %dma_start3A_13 : memref<1x128xi32, #tpu.memory_space<vmem>> -> memref<128xi32, #tpu.memory_space<vmem>>
      %dma_start3A_15 = arith.constant 0 : i32
      %dma_start3A_16 = arith.constant 0 : i32
      %dma_start3A_17 = tpu.memref_slice %arg8[%dma_start3A_15, %dma_start3A_16] : memref<50048x8xf32, #tpu.memory_space<vmem_shared>> -> memref<50048x8xf32, #tpu.memory_space<vmem_shared>>
      tpu.enqueue_indirect_dma source(%arg7 : memref<128x8xf32, #tpu.memory_space<vmem>>) target(%dma_start3A_17 : memref<50048x8xf32, #tpu.memory_space<vmem_shared>>) offsets(%dma_start3A_14 : memref<128xi32, #tpu.memory_space<vmem>>) semaphore(%arg9 : memref<!tpu.dma_semaphore, #tpu.memory_space<semaphore_mem>>) {add = true}
      %dma_start3A_18 = arith.constant 1 : i32
      %dma_start3A_19 = arith.constant 0 : i32
      %dma_start3A_20 = tpu.memref_slice %arg6[%dma_start3A_18, %dma_start3A_19] : memref<8x128xi32, #tpu.memory_space<vmem>> -> memref<1x128xi32, #tpu.memory_space<vmem>>
      %dma_start3A_21 = tpu.memref_squeeze %dma_start3A_20 : memref<1x128xi32, #tpu.memory_space<vmem>> -> memref<128xi32, #tpu.memory_space<vmem>>
      %dma_start3A_22 = arith.constant 0 : i32
      %dma_start3A_23 = arith.constant 0 : i32
      %dma_start3A_24 = tpu.memref_slice %arg8[%dma_start3A_22, %dma_start3A_23] : memref<50048x8xf32, #tpu.memory_space<vmem_shared>> -> memref<50048x8xf32, #tpu.memory_space<vmem_shared>>
      tpu.enqueue_indirect_dma source(%arg7 : memref<128x8xf32, #tpu.memory_space<vmem>>) target(%dma_start3A_24 : memref<50048x8xf32, #tpu.memory_space<vmem_shared>>) offsets(%dma_start3A_21 : memref<128xi32, #tpu.memory_space<vmem>>) semaphore(%arg9 : memref<!tpu.dma_semaphore, #tpu.memory_space<semaphore_mem>>) {add = true}
      %dma_start3A_25 = arith.constant 2 : i32
      %dma_start3A_26 = arith.constant 0 : i32
      %dma_start3A_27 = tpu.memref_slice %arg6[%dma_start3A_25, %dma_start3A_26] : memref<8x128xi32, #tpu.memory_space<vmem>> -> memref<1x128xi32, #tpu.memory_space<vmem>>
      %dma_start3A_28 = tpu.memref_squeeze %dma_start3A_27 : memref<1x128xi32, #tpu.memory_space<vmem>> -> memref<128xi32, #tpu.memory_space<vmem>>
      %dma_start3A_29 = arith.constant 0 : i32
      %dma_start3A_30 = arith.constant 0 : i32
      %dma_start3A_31 = tpu.memref_slice %arg8[%dma_start3A_29, %dma_start3A_30] : memref<50048x8xf32, #tpu.memory_space<vmem_shared>> -> memref<50048x8xf32, #tpu.memory_space<vmem_shared>>
      tpu.enqueue_indirect_dma source(%arg7 : memref<128x8xf32, #tpu.memory_space<vmem>>) target(%dma_start3A_31 : memref<50048x8xf32, #tpu.memory_space<vmem_shared>>) offsets(%dma_start3A_28 : memref<128xi32, #tpu.memory_space<vmem>>) semaphore(%arg9 : memref<!tpu.dma_semaphore, #tpu.memory_space<semaphore_mem>>) {add = true}
      %dma_start3A_32 = arith.constant 3 : i32
      %dma_start3A_33 = arith.constant 0 : i32
      %dma_start3A_34 = tpu.memref_slice %arg6[%dma_start3A_32, %dma_start3A_33] : memref<8x128xi32, #tpu.memory_space<vmem>> -> memref<1x128xi32, #tpu.memory_space<vmem>>
      %dma_start3A_35 = tpu.memref_squeeze %dma_start3A_34 : memref<1x128xi32, #tpu.memory_space<vmem>> -> memref<128xi32, #tpu.memory_space<vmem>>
      %dma_start3A_36 = arith.constant 0 : i32
      %dma_start3A_37 = arith.constant 0 : i32
      %dma_start3A_38 = tpu.memref_slice %arg8[%dma_start3A_36, %dma_start3A_37] : memref<50048x8xf32, #tpu.memory_space<vmem_shared>> -> memref<50048x8xf32, #tpu.memory_space<vmem_shared>>
      tpu.enqueue_indirect_dma source(%arg7 : memref<128x8xf32, #tpu.memory_space<vmem>>) target(%dma_start3A_38 : memref<50048x8xf32, #tpu.memory_space<vmem_shared>>) offsets(%dma_start3A_35 : memref<128xi32, #tpu.memory_space<vmem>>) semaphore(%arg9 : memref<!tpu.dma_semaphore, #tpu.memory_space<semaphore_mem>>) {add = true}
      %dma_start3A_39 = arith.constant 4 : i32
      %dma_start3A_40 = arith.constant 0 : i32
      %dma_start3A_41 = tpu.memref_slice %arg6[%dma_start3A_39, %dma_start3A_40] : memref<8x128xi32, #tpu.memory_space<vmem>> -> memref<1x128xi32, #tpu.memory_space<vmem>>
      %dma_start3A_42 = tpu.memref_squeeze %dma_start3A_41 : memref<1x128xi32, #tpu.memory_space<vmem>> -> memref<128xi32, #tpu.memory_space<vmem>>
      %dma_start3A_43 = arith.constant 0 : i32
      %dma_start3A_44 = arith.constant 0 : i32
      %dma_start3A_45 = tpu.memref_slice %arg8[%dma_start3A_43, %dma_start3A_44] : memref<50048x8xf32, #tpu.memory_space<vmem_shared>> -> memref<50048x8xf32, #tpu.memory_space<vmem_shared>>
      tpu.enqueue_indirect_dma source(%arg7 : memref<128x8xf32, #tpu.memory_space<vmem>>) target(%dma_start3A_45 : memref<50048x8xf32, #tpu.memory_space<vmem_shared>>) offsets(%dma_start3A_42 : memref<128xi32, #tpu.memory_space<vmem>>) semaphore(%arg9 : memref<!tpu.dma_semaphore, #tpu.memory_space<semaphore_mem>>) {add = true}
      %dma_start3A_46 = arith.constant 5 : i32
      %dma_start3A_47 = arith.constant 0 : i32
      %dma_start3A_48 = tpu.memref_slice %arg6[%dma_start3A_46, %dma_start3A_47] : memref<8x128xi32, #tpu.memory_space<vmem>> -> memref<1x128xi32, #tpu.memory_space<vmem>>
      %dma_start3A_49 = tpu.memref_squeeze %dma_start3A_48 : memref<1x128xi32, #tpu.memory_space<vmem>> -> memref<128xi32, #tpu.memory_space<vmem>>
      %dma_start3A_50 = arith.constant 0 : i32
      %dma_start3A_51 = arith.constant 0 : i32
      %dma_start3A_52 = tpu.memref_slice %arg8[%dma_start3A_50, %dma_start3A_51] : memref<50048x8xf32, #tpu.memory_space<vmem_shared>> -> memref<50048x8xf32, #tpu.memory_space<vmem_shared>>
      tpu.enqueue_indirect_dma source(%arg7 : memref<128x8xf32, #tpu.memory_space<vmem>>) target(%dma_start3A_52 : memref<50048x8xf32, #tpu.memory_space<vmem_shared>>) offsets(%dma_start3A_49 : memref<128xi32, #tpu.memory_space<vmem>>) semaphore(%arg9 : memref<!tpu.dma_semaphore, #tpu.memory_space<semaphore_mem>>) {add = true}
      %dma_start3A_53 = arith.constant 6 : i32
      %dma_start3A_54 = arith.constant 0 : i32
      %dma_start3A_55 = tpu.memref_slice %arg6[%dma_start3A_53, %dma_start3A_54] : memref<8x128xi32, #tpu.memory_space<vmem>> -> memref<1x128xi32, #tpu.memory_space<vmem>>
      %dma_start3A_56 = tpu.memref_squeeze %dma_start3A_55 : memref<1x128xi32, #tpu.memory_space<vmem>> -> memref<128xi32, #tpu.memory_space<vmem>>
      %dma_start3A_57 = arith.constant 0 : i32
      %dma_start3A_58 = arith.constant 0 : i32
      %dma_start3A_59 = tpu.memref_slice %arg8[%dma_start3A_57, %dma_start3A_58] : memref<50048x8xf32, #tpu.memory_space<vmem_shared>> -> memref<50048x8xf32, #tpu.memory_space<vmem_shared>>
      tpu.enqueue_indirect_dma source(%arg7 : memref<128x8xf32, #tpu.memory_space<vmem>>) target(%dma_start3A_59 : memref<50048x8xf32, #tpu.memory_space<vmem_shared>>) offsets(%dma_start3A_56 : memref<128xi32, #tpu.memory_space<vmem>>) semaphore(%arg9 : memref<!tpu.dma_semaphore, #tpu.memory_space<semaphore_mem>>) {add = true}
      %dma_start3A_60 = arith.constant 7 : i32
      %dma_start3A_61 = arith.constant 0 : i32
      %dma_start3A_62 = tpu.memref_slice %arg6[%dma_start3A_60, %dma_start3A_61] : memref<8x128xi32, #tpu.memory_space<vmem>> -> memref<1x128xi32, #tpu.memory_space<vmem>>
      %dma_start3A_63 = tpu.memref_squeeze %dma_start3A_62 : memref<1x128xi32, #tpu.memory_space<vmem>> -> memref<128xi32, #tpu.memory_space<vmem>>
      %dma_start3A_64 = arith.constant 0 : i32
      %dma_start3A_65 = arith.constant 0 : i32
      %dma_start3A_66 = tpu.memref_slice %arg8[%dma_start3A_64, %dma_start3A_65] : memref<50048x8xf32, #tpu.memory_space<vmem_shared>> -> memref<50048x8xf32, #tpu.memory_space<vmem_shared>>
      tpu.enqueue_indirect_dma source(%arg7 : memref<128x8xf32, #tpu.memory_space<vmem>>) target(%dma_start3A_66 : memref<50048x8xf32, #tpu.memory_space<vmem_shared>>) offsets(%dma_start3A_63 : memref<128xi32, #tpu.memory_space<vmem>>) semaphore(%arg9 : memref<!tpu.dma_semaphore, #tpu.memory_space<semaphore_mem>>) {add = true}
      %dma_wait3A = arith.constant 0 : i32
      %dma_wait3A_67 = arith.constant 0 : i32
      %dma_wait3A_68 = tpu.memref_slice %arg6[%dma_wait3A, %dma_wait3A_67] : memref<8x128xi32, #tpu.memory_space<vmem>> -> memref<1x128xi32, #tpu.memory_space<vmem>>
      %dma_wait3A_69 = tpu.memref_squeeze %dma_wait3A_68 : memref<1x128xi32, #tpu.memory_space<vmem>> -> memref<128xi32, #tpu.memory_space<vmem>>
      %dma_wait3A_70 = arith.constant 0 : i32
      %dma_wait3A_71 = arith.constant 0 : i32
      %dma_wait3A_72 = tpu.memref_slice %arg8[%dma_wait3A_70, %dma_wait3A_71] : memref<50048x8xf32, #tpu.memory_space<vmem_shared>> -> memref<50048x8xf32, #tpu.memory_space<vmem_shared>>
      tpu.wait_indirect_dma semaphore(%arg9 : memref<!tpu.dma_semaphore, #tpu.memory_space<semaphore_mem>>) src(%arg7 : memref<128x8xf32, #tpu.memory_space<vmem>>) dst(%dma_wait3A_72 : memref<50048x8xf32, #tpu.memory_space<vmem_shared>>)
      %dma_wait3A_73 = arith.constant 1 : i32
      %dma_wait3A_74 = arith.constant 0 : i32
      %dma_wait3A_75 = tpu.memref_slice %arg6[%dma_wait3A_73, %dma_wait3A_74] : memref<8x128xi32, #tpu.memory_space<vmem>> -> memref<1x128xi32, #tpu.memory_space<vmem>>
      %dma_wait3A_76 = tpu.memref_squeeze %dma_wait3A_75 : memref<1x128xi32, #tpu.memory_space<vmem>> -> memref<128xi32, #tpu.memory_space<vmem>>
      %dma_wait3A_77 = arith.constant 0 : i32
      %dma_wait3A_78 = arith.constant 0 : i32
      %dma_wait3A_79 = tpu.memref_slice %arg8[%dma_wait3A_77, %dma_wait3A_78] : memref<50048x8xf32, #tpu.memory_space<vmem_shared>> -> memref<50048x8xf32, #tpu.memory_space<vmem_shared>>
      tpu.wait_indirect_dma semaphore(%arg9 : memref<!tpu.dma_semaphore, #tpu.memory_space<semaphore_mem>>) src(%arg7 : memref<128x8xf32, #tpu.memory_space<vmem>>) dst(%dma_wait3A_79 : memref<50048x8xf32, #tpu.memory_space<vmem_shared>>)
      %dma_wait3A_80 = arith.constant 2 : i32
      %dma_wait3A_81 = arith.constant 0 : i32
      %dma_wait3A_82 = tpu.memref_slice %arg6[%dma_wait3A_80, %dma_wait3A_81] : memref<8x128xi32, #tpu.memory_space<vmem>> -> memref<1x128xi32, #tpu.memory_space<vmem>>
      %dma_wait3A_83 = tpu.memref_squeeze %dma_wait3A_82 : memref<1x128xi32, #tpu.memory_space<vmem>> -> memref<128xi32, #tpu.memory_space<vmem>>
      %dma_wait3A_84 = arith.constant 0 : i32
      %dma_wait3A_85 = arith.constant 0 : i32
      %dma_wait3A_86 = tpu.memref_slice %arg8[%dma_wait3A_84, %dma_wait3A_85] : memref<50048x8xf32, #tpu.memory_space<vmem_shared>> -> memref<50048x8xf32, #tpu.memory_space<vmem_shared>>
      tpu.wait_indirect_dma semaphore(%arg9 : memref<!tpu.dma_semaphore, #tpu.memory_space<semaphore_mem>>) src(%arg7 : memref<128x8xf32, #tpu.memory_space<vmem>>) dst(%dma_wait3A_86 : memref<50048x8xf32, #tpu.memory_space<vmem_shared>>)
      %dma_wait3A_87 = arith.constant 3 : i32
      %dma_wait3A_88 = arith.constant 0 : i32
      %dma_wait3A_89 = tpu.memref_slice %arg6[%dma_wait3A_87, %dma_wait3A_88] : memref<8x128xi32, #tpu.memory_space<vmem>> -> memref<1x128xi32, #tpu.memory_space<vmem>>
      %dma_wait3A_90 = tpu.memref_squeeze %dma_wait3A_89 : memref<1x128xi32, #tpu.memory_space<vmem>> -> memref<128xi32, #tpu.memory_space<vmem>>
      %dma_wait3A_91 = arith.constant 0 : i32
      %dma_wait3A_92 = arith.constant 0 : i32
      %dma_wait3A_93 = tpu.memref_slice %arg8[%dma_wait3A_91, %dma_wait3A_92] : memref<50048x8xf32, #tpu.memory_space<vmem_shared>> -> memref<50048x8xf32, #tpu.memory_space<vmem_shared>>
      tpu.wait_indirect_dma semaphore(%arg9 : memref<!tpu.dma_semaphore, #tpu.memory_space<semaphore_mem>>) src(%arg7 : memref<128x8xf32, #tpu.memory_space<vmem>>) dst(%dma_wait3A_93 : memref<50048x8xf32, #tpu.memory_space<vmem_shared>>)
      %dma_wait3A_94 = arith.constant 4 : i32
      %dma_wait3A_95 = arith.constant 0 : i32
      %dma_wait3A_96 = tpu.memref_slice %arg6[%dma_wait3A_94, %dma_wait3A_95] : memref<8x128xi32, #tpu.memory_space<vmem>> -> memref<1x128xi32, #tpu.memory_space<vmem>>
      %dma_wait3A_97 = tpu.memref_squeeze %dma_wait3A_96 : memref<1x128xi32, #tpu.memory_space<vmem>> -> memref<128xi32, #tpu.memory_space<vmem>>
      %dma_wait3A_98 = arith.constant 0 : i32
      %dma_wait3A_99 = arith.constant 0 : i32
      %dma_wait3A_100 = tpu.memref_slice %arg8[%dma_wait3A_98, %dma_wait3A_99] : memref<50048x8xf32, #tpu.memory_space<vmem_shared>> -> memref<50048x8xf32, #tpu.memory_space<vmem_shared>>
      tpu.wait_indirect_dma semaphore(%arg9 : memref<!tpu.dma_semaphore, #tpu.memory_space<semaphore_mem>>) src(%arg7 : memref<128x8xf32, #tpu.memory_space<vmem>>) dst(%dma_wait3A_100 : memref<50048x8xf32, #tpu.memory_space<vmem_shared>>)
      %dma_wait3A_101 = arith.constant 5 : i32
      %dma_wait3A_102 = arith.constant 0 : i32
      %dma_wait3A_103 = tpu.memref_slice %arg6[%dma_wait3A_101, %dma_wait3A_102] : memref<8x128xi32, #tpu.memory_space<vmem>> -> memref<1x128xi32, #tpu.memory_space<vmem>>
      %dma_wait3A_104 = tpu.memref_squeeze %dma_wait3A_103 : memref<1x128xi32, #tpu.memory_space<vmem>> -> memref<128xi32, #tpu.memory_space<vmem>>
      %dma_wait3A_105 = arith.constant 0 : i32
      %dma_wait3A_106 = arith.constant 0 : i32
      %dma_wait3A_107 = tpu.memref_slice %arg8[%dma_wait3A_105, %dma_wait3A_106] : memref<50048x8xf32, #tpu.memory_space<vmem_shared>> -> memref<50048x8xf32, #tpu.memory_space<vmem_shared>>
      tpu.wait_indirect_dma semaphore(%arg9 : memref<!tpu.dma_semaphore, #tpu.memory_space<semaphore_mem>>) src(%arg7 : memref<128x8xf32, #tpu.memory_space<vmem>>) dst(%dma_wait3A_107 : memref<50048x8xf32, #tpu.memory_space<vmem_shared>>)
      %dma_wait3A_108 = arith.constant 6 : i32
      %dma_wait3A_109 = arith.constant 0 : i32
      %dma_wait3A_110 = tpu.memref_slice %arg6[%dma_wait3A_108, %dma_wait3A_109] : memref<8x128xi32, #tpu.memory_space<vmem>> -> memref<1x128xi32, #tpu.memory_space<vmem>>
      %dma_wait3A_111 = tpu.memref_squeeze %dma_wait3A_110 : memref<1x128xi32, #tpu.memory_space<vmem>> -> memref<128xi32, #tpu.memory_space<vmem>>
      %dma_wait3A_112 = arith.constant 0 : i32
      %dma_wait3A_113 = arith.constant 0 : i32
      %dma_wait3A_114 = tpu.memref_slice %arg8[%dma_wait3A_112, %dma_wait3A_113] : memref<50048x8xf32, #tpu.memory_space<vmem_shared>> -> memref<50048x8xf32, #tpu.memory_space<vmem_shared>>
      tpu.wait_indirect_dma semaphore(%arg9 : memref<!tpu.dma_semaphore, #tpu.memory_space<semaphore_mem>>) src(%arg7 : memref<128x8xf32, #tpu.memory_space<vmem>>) dst(%dma_wait3A_114 : memref<50048x8xf32, #tpu.memory_space<vmem_shared>>)
      %dma_wait3A_115 = arith.constant 7 : i32
      %dma_wait3A_116 = arith.constant 0 : i32
      %dma_wait3A_117 = tpu.memref_slice %arg6[%dma_wait3A_115, %dma_wait3A_116] : memref<8x128xi32, #tpu.memory_space<vmem>> -> memref<1x128xi32, #tpu.memory_space<vmem>>
      %dma_wait3A_118 = tpu.memref_squeeze %dma_wait3A_117 : memref<1x128xi32, #tpu.memory_space<vmem>> -> memref<128xi32, #tpu.memory_space<vmem>>
      %dma_wait3A_119 = arith.constant 0 : i32
      %dma_wait3A_120 = arith.constant 0 : i32
      %dma_wait3A_121 = tpu.memref_slice %arg8[%dma_wait3A_119, %dma_wait3A_120] : memref<50048x8xf32, #tpu.memory_space<vmem_shared>> -> memref<50048x8xf32, #tpu.memory_space<vmem_shared>>
      tpu.wait_indirect_dma semaphore(%arg9 : memref<!tpu.dma_semaphore, #tpu.memory_space<semaphore_mem>>) src(%arg7 : memref<128x8xf32, #tpu.memory_space<vmem>>) dst(%dma_wait3A_121 : memref<50048x8xf32, #tpu.memory_space<vmem_shared>>)
    }
    %scan3A_5 = arith.constant 25 : i32
    %barrier3A_6 = arith.constant 0 : index
    tpu.barrier barrier_id(%barrier3A_6)
    "tpu.region"() ({
      %run_scoped3A = tpu.sem_alloc : memref<!tpu.dma_semaphore, #tpu.memory_space<semaphore_mem>>
      %dma_start3A = arith.constant 0 : i32
      %dma_start3A_7 = tpu.memref_slice %arg5[%arg0, %mul3A_0, %dma_start3A] : memref<2x50048x8xf32, #tpu.memory_space<hbm>> -> memref<1x3128x8xf32, #tpu.memory_space<hbm>>
      %dma_start3A_8 = tpu.memref_squeeze %dma_start3A_7 : memref<1x3128x8xf32, #tpu.memory_space<hbm>> -> memref<3128x8xf32, #tpu.memory_space<hbm>>
      %dma_start3A_9 = arith.constant 0 : i32
      %dma_start3A_10 = tpu.memref_slice %arg8[%mul3A_0, %dma_start3A_9] : memref<50048x8xf32, #tpu.memory_space<vmem_shared>> -> memref<3128x8xf32, #tpu.memory_space<vmem_shared>>
      tpu.enqueue_dma source(%dma_start3A_10 : memref<3128x8xf32, #tpu.memory_space<vmem_shared>>) target(%dma_start3A_8 : memref<3128x8xf32, #tpu.memory_space<hbm>>) target_semaphore(%run_scoped3A : memref<!tpu.dma_semaphore, #tpu.memory_space<semaphore_mem>>)
      %dma_wait3A = arith.constant 0 : i32
      %dma_wait3A_11 = tpu.memref_slice %arg5[%arg0, %mul3A_0, %dma_wait3A] : memref<2x50048x8xf32, #tpu.memory_space<hbm>> -> memref<1x3128x8xf32, #tpu.memory_space<hbm>>
      %dma_wait3A_12 = tpu.memref_squeeze %dma_wait3A_11 : memref<1x3128x8xf32, #tpu.memory_space<hbm>> -> memref<3128x8xf32, #tpu.memory_space<hbm>>
      %dma_wait3A_13 = arith.constant 0 : i32
      %dma_wait3A_14 = tpu.memref_slice %arg8[%mul3A_0, %dma_wait3A_13] : memref<50048x8xf32, #tpu.memory_space<vmem_shared>> -> memref<3128x8xf32, #tpu.memory_space<vmem_shared>>
      tpu.wait_dma2 semaphore(%run_scoped3A : memref<!tpu.dma_semaphore, #tpu.memory_space<semaphore_mem>>) src(%dma_wait3A_14 : memref<3128x8xf32, #tpu.memory_space<vmem_shared>>) dst(%dma_wait3A_12 : memref<3128x8xf32, #tpu.memory_space<hbm>>)
      tpu.yield
    }) : () -> ()
    return
  }
}

#map = affine_map<(d0, d1) -> (0, 0)>
#map1 = affine_map<(d0, d1) -> (0, 0, 0)>
module attributes {stable_mosaic.version = 14 : i64} {
  func.func @_feat_body(%arg0: i32, %arg1: i32, %arg2: memref<100000x32xf32, #tpu.memory_space<hbm>>, %arg3: memref<2x6272x128xi32, #tpu.memory_space<hbm>>, %arg4: memref<6272x128xi32, #tpu.memory_space<hbm>>, %arg5: memref<50048x32xf32, #tpu.memory_space<hbm>>, %arg6: memref<2x50048x32xf32, #tpu.memory_space<hbm>>, %arg7: memref<2x4x128xi32, #tpu.memory_space<vmem>>, %arg8: memref<2x4x128xi32, #tpu.memory_space<vmem>>, %arg9: memref<512x32xf32, #tpu.memory_space<vmem>>, %arg10: memref<50048x32xf32, #tpu.memory_space<vmem_shared>>, %arg11: memref<!tpu.dma_semaphore, #tpu.memory_space<semaphore_mem>>, %arg12: memref<!tpu.dma_semaphore, #tpu.memory_space<semaphore_mem>>, %arg13: memref<!tpu.dma_semaphore, #tpu.memory_space<semaphore_mem>>, %arg14: memref<!tpu.dma_semaphore, #tpu.memory_space<semaphore_mem>>) attributes {dimension_semantics = [#tpu.dimension_semantics<core_parallel>, #tpu.dimension_semantics<subcore_parallel>], iteration_bounds = array<i64: 2, 16>, scalar_prefetch = 0 : i64, scratch_operands = 8 : i64, tpu.core_type = #tpu.core_type<sc_vector_subcore>, window_params = [{transform_indices = #map}, {transform_indices = #map1}, {transform_indices = #map}, {transform_indices = #map}, {transform_indices = #map1}]} {
    %mul3A = arith.constant 392 : i32
    %mul3A_0 = arith.muli %arg1, %mul3A : i32
    %mul3A_1 = arith.constant 3128 : i32
    %mul3A_2 = arith.muli %arg1, %mul3A_1 : i32
    "tpu.region"() ({
      %run_scoped3A = tpu.sem_alloc : memref<!tpu.dma_semaphore, #tpu.memory_space<semaphore_mem>>
      %dma_start3A_64 = arith.constant 0 : i32
      %dma_start3A_65 = tpu.memref_slice %arg10[%mul3A_2, %dma_start3A_64] : memref<50048x32xf32, #tpu.memory_space<vmem_shared>> -> memref<3128x32xf32, #tpu.memory_space<vmem_shared>>
      %dma_start3A_66 = arith.constant 0 : i32
      %dma_start3A_67 = tpu.memref_slice %arg5[%mul3A_2, %dma_start3A_66] : memref<50048x32xf32, #tpu.memory_space<hbm>> -> memref<3128x32xf32, #tpu.memory_space<hbm>>
      tpu.enqueue_dma source(%dma_start3A_67 : memref<3128x32xf32, #tpu.memory_space<hbm>>) target(%dma_start3A_65 : memref<3128x32xf32, #tpu.memory_space<vmem_shared>>) target_semaphore(%run_scoped3A : memref<!tpu.dma_semaphore, #tpu.memory_space<semaphore_mem>>)
      %dma_wait3A_68 = arith.constant 0 : i32
      %dma_wait3A_69 = tpu.memref_slice %arg10[%mul3A_2, %dma_wait3A_68] : memref<50048x32xf32, #tpu.memory_space<vmem_shared>> -> memref<3128x32xf32, #tpu.memory_space<vmem_shared>>
      %dma_wait3A_70 = arith.constant 0 : i32
      %dma_wait3A_71 = tpu.memref_slice %arg5[%mul3A_2, %dma_wait3A_70] : memref<50048x32xf32, #tpu.memory_space<hbm>> -> memref<3128x32xf32, #tpu.memory_space<hbm>>
      tpu.wait_dma2 semaphore(%run_scoped3A : memref<!tpu.dma_semaphore, #tpu.memory_space<semaphore_mem>>) src(%dma_wait3A_71 : memref<3128x32xf32, #tpu.memory_space<hbm>>) dst(%dma_wait3A_69 : memref<3128x32xf32, #tpu.memory_space<vmem_shared>>)
      tpu.yield
    }) : () -> ()
    %barrier3A = arith.constant 0 : index
    tpu.barrier barrier_id(%barrier3A)
    %add3A = arith.constant 0 : i32
    %add3A_3 = arith.addi %mul3A_0, %add3A : i32
    %dma_start3A = arith.constant 0 : i32
    %dma_start3A_4 = arith.constant 0 : i32
    %dma_start3A_5 = arith.constant 0 : i32
    %dma_start3A_6 = tpu.memref_slice %arg7[%dma_start3A, %dma_start3A_4, %dma_start3A_5] : memref<2x4x128xi32, #tpu.memory_space<vmem>> -> memref<1x4x128xi32, #tpu.memory_space<vmem>>
    %dma_start3A_7 = tpu.memref_squeeze %dma_start3A_6 : memref<1x4x128xi32, #tpu.memory_space<vmem>> -> memref<4x128xi32, #tpu.memory_space<vmem>>
    %dma_start3A_8 = arith.constant 0 : i32
    %dma_start3A_9 = tpu.memref_slice %arg3[%arg0, %add3A_3, %dma_start3A_8] : memref<2x6272x128xi32, #tpu.memory_space<hbm>> -> memref<1x4x128xi32, #tpu.memory_space<hbm>>
    %dma_start3A_10 = tpu.memref_squeeze %dma_start3A_9 : memref<1x4x128xi32, #tpu.memory_space<hbm>> -> memref<4x128xi32, #tpu.memory_space<hbm>>
    %dma_start3A_11 = arith.constant 0 : i32
    %dma_start3A_12 = arith.constant 0 : i32
    %dma_start3A_13 = tpu.memref_slice %arg7[%dma_start3A, %dma_start3A_11, %dma_start3A_12] : memref<2x4x128xi32, #tpu.memory_space<vmem>> -> memref<1x4x128xi32, #tpu.memory_space<vmem>>
    %dma_start3A_14 = tpu.memref_squeeze %dma_start3A_13 : memref<1x4x128xi32, #tpu.memory_space<vmem>> -> memref<4x128xi32, #tpu.memory_space<vmem>>
    %dma_start3A_15 = arith.constant 0 : i32
    %dma_start3A_16 = tpu.memref_slice %arg3[%arg0, %add3A_3, %dma_start3A_15] : memref<2x6272x128xi32, #tpu.memory_space<hbm>> -> memref<1x4x128xi32, #tpu.memory_space<hbm>>
    %dma_start3A_17 = tpu.memref_squeeze %dma_start3A_16 : memref<1x4x128xi32, #tpu.memory_space<hbm>> -> memref<4x128xi32, #tpu.memory_space<hbm>>
    tpu.enqueue_dma source(%dma_start3A_17 : memref<4x128xi32, #tpu.memory_space<hbm>>) target(%dma_start3A_14 : memref<4x128xi32, #tpu.memory_space<vmem>>) target_semaphore(%arg11 : memref<!tpu.dma_semaphore, #tpu.memory_space<semaphore_mem>>)
    %dma_start3A_18 = arith.constant 0 : i32
    %dma_start3A_19 = arith.constant 0 : i32
    %dma_start3A_20 = arith.constant 0 : i32
    %dma_start3A_21 = tpu.memref_slice %arg8[%dma_start3A_18, %dma_start3A_19, %dma_start3A_20] : memref<2x4x128xi32, #tpu.memory_space<vmem>> -> memref<1x4x128xi32, #tpu.memory_space<vmem>>
    %dma_start3A_22 = tpu.memref_squeeze %dma_start3A_21 : memref<1x4x128xi32, #tpu.memory_space<vmem>> -> memref<4x128xi32, #tpu.memory_space<vmem>>
    %dma_start3A_23 = arith.constant 0 : i32
    %dma_start3A_24 = tpu.memref_slice %arg4[%add3A_3, %dma_start3A_23] : memref<6272x128xi32, #tpu.memory_space<hbm>> -> memref<4x128xi32, #tpu.memory_space<hbm>>
    %dma_start3A_25 = arith.constant 0 : i32
    %dma_start3A_26 = arith.constant 0 : i32
    %dma_start3A_27 = tpu.memref_slice %arg8[%dma_start3A_18, %dma_start3A_25, %dma_start3A_26] : memref<2x4x128xi32, #tpu.memory_space<vmem>> -> memref<1x4x128xi32, #tpu.memory_space<vmem>>
    %dma_start3A_28 = tpu.memref_squeeze %dma_start3A_27 : memref<1x4x128xi32, #tpu.memory_space<vmem>> -> memref<4x128xi32, #tpu.memory_space<vmem>>
    %dma_start3A_29 = arith.constant 0 : i32
    %dma_start3A_30 = tpu.memref_slice %arg4[%add3A_3, %dma_start3A_29] : memref<6272x128xi32, #tpu.memory_space<hbm>> -> memref<4x128xi32, #tpu.memory_space<hbm>>
    tpu.enqueue_dma source(%dma_start3A_30 : memref<4x128xi32, #tpu.memory_space<hbm>>) target(%dma_start3A_28 : memref<4x128xi32, #tpu.memory_space<vmem>>) target_semaphore(%arg11 : memref<!tpu.dma_semaphore, #tpu.memory_space<semaphore_mem>>)
    %scan3A = arith.constant 0 : i32
    %scan3A_31 = arith.constant 0 : i32
    %scan3A_32 = arith.constant 49 : i32
    %scan3A_33 = arith.addi %scan3A_31, %scan3A_32 : i32
    %scan3A_34 = arith.constant 1 : i32
    scf.for %scan3A_64 = %scan3A_31 to %scan3A_33 step %scan3A_34  : i32 {
      %mul3A_65 = arith.constant 2 : i32
      %mul3A_66 = arith.muli %mul3A_65, %scan3A_64 : i32
      %add3A_67 = arith.constant 1 : i32
      %add3A_68 = arith.addi %mul3A_66, %add3A_67 : i32
      %mul3A_69 = arith.constant 4 : i32
      %mul3A_70 = arith.muli %add3A_68, %mul3A_69 : i32
      %add3A_71 = arith.addi %mul3A_0, %mul3A_70 : i32
      %dma_start3A_72 = arith.constant 1 : i32
      %dma_start3A_73 = arith.constant 0 : i32
      %dma_start3A_74 = arith.constant 0 : i32
      %dma_start3A_75 = tpu.memref_slice %arg7[%dma_start3A_72, %dma_start3A_73, %dma_start3A_74] : memref<2x4x128xi32, #tpu.memory_space<vmem>> -> memref<1x4x128xi32, #tpu.memory_space<vmem>>
      %dma_start3A_76 = tpu.memref_squeeze %dma_start3A_75 : memref<1x4x128xi32, #tpu.memory_space<vmem>> -> memref<4x128xi32, #tpu.memory_space<vmem>>
      %dma_start3A_77 = arith.constant 0 : i32
      %dma_start3A_78 = tpu.memref_slice %arg3[%arg0, %add3A_71, %dma_start3A_77] : memref<2x6272x128xi32, #tpu.memory_space<hbm>> -> memref<1x4x128xi32, #tpu.memory_space<hbm>>
      %dma_start3A_79 = tpu.memref_squeeze %dma_start3A_78 : memref<1x4x128xi32, #tpu.memory_space<hbm>> -> memref<4x128xi32, #tpu.memory_space<hbm>>
      %dma_start3A_80 = arith.constant 0 : i32
      %dma_start3A_81 = arith.constant 0 : i32
      %dma_start3A_82 = tpu.memref_slice %arg7[%dma_start3A_72, %dma_start3A_80, %dma_start3A_81] : memref<2x4x128xi32, #tpu.memory_space<vmem>> -> memref<1x4x128xi32, #tpu.memory_space<vmem>>
      %dma_start3A_83 = tpu.memref_squeeze %dma_start3A_82 : memref<1x4x128xi32, #tpu.memory_space<vmem>> -> memref<4x128xi32, #tpu.memory_space<vmem>>
      %dma_start3A_84 = arith.constant 0 : i32
      %dma_start3A_85 = tpu.memref_slice %arg3[%arg0, %add3A_71, %dma_start3A_84] : memref<2x6272x128xi32, #tpu.memory_space<hbm>> -> memref<1x4x128xi32, #tpu.memory_space<hbm>>
      %dma_start3A_86 = tpu.memref_squeeze %dma_start3A_85 : memref<1x4x128xi32, #tpu.memory_space<hbm>> -> memref<4x128xi32, #tpu.memory_space<hbm>>
      tpu.enqueue_dma source(%dma_start3A_86 : memref<4x128xi32, #tpu.memory_space<hbm>>) target(%dma_start3A_83 : memref<4x128xi32, #tpu.memory_space<vmem>>) target_semaphore(%arg12 : memref<!tpu.dma_semaphore, #tpu.memory_space<semaphore_mem>>)
      %dma_start3A_87 = arith.constant 1 : i32
      %dma_start3A_88 = arith.constant 0 : i32
      %dma_start3A_89 = arith.constant 0 : i32
      %dma_start3A_90 = tpu.memref_slice %arg8[%dma_start3A_87, %dma_start3A_88, %dma_start3A_89] : memref<2x4x128xi32, #tpu.memory_space<vmem>> -> memref<1x4x128xi32, #tpu.memory_space<vmem>>
      %dma_start3A_91 = tpu.memref_squeeze %dma_start3A_90 : memref<1x4x128xi32, #tpu.memory_space<vmem>> -> memref<4x128xi32, #tpu.memory_space<vmem>>
      %dma_start3A_92 = arith.constant 0 : i32
      %dma_start3A_93 = tpu.memref_slice %arg4[%add3A_71, %dma_start3A_92] : memref<6272x128xi32, #tpu.memory_space<hbm>> -> memref<4x128xi32, #tpu.memory_space<hbm>>
      %dma_start3A_94 = arith.constant 0 : i32
      %dma_start3A_95 = arith.constant 0 : i32
      %dma_start3A_96 = tpu.memref_slice %arg8[%dma_start3A_87, %dma_start3A_94, %dma_start3A_95] : memref<2x4x128xi32, #tpu.memory_space<vmem>> -> memref<1x4x128xi32, #tpu.memory_space<vmem>>
      %dma_start3A_97 = tpu.memref_squeeze %dma_start3A_96 : memref<1x4x128xi32, #tpu.memory_space<vmem>> -> memref<4x128xi32, #tpu.memory_space<vmem>>
      %dma_start3A_98 = arith.constant 0 : i32
      %dma_start3A_99 = tpu.memref_slice %arg4[%add3A_71, %dma_start3A_98] : memref<6272x128xi32, #tpu.memory_space<hbm>> -> memref<4x128xi32, #tpu.memory_space<hbm>>
      tpu.enqueue_dma source(%dma_start3A_99 : memref<4x128xi32, #tpu.memory_space<hbm>>) target(%dma_start3A_97 : memref<4x128xi32, #tpu.memory_space<vmem>>) target_semaphore(%arg12 : memref<!tpu.dma_semaphore, #tpu.memory_space<semaphore_mem>>)
      %dma_wait3A_100 = arith.constant 0 : i32
      %dma_wait3A_101 = arith.constant 0 : i32
      %dma_wait3A_102 = arith.constant 0 : i32
      %dma_wait3A_103 = tpu.memref_slice %arg7[%dma_wait3A_100, %dma_wait3A_101, %dma_wait3A_102] : memref<2x4x128xi32, #tpu.memory_space<vmem>> -> memref<1x4x128xi32, #tpu.memory_space<vmem>>
      %dma_wait3A_104 = tpu.memref_squeeze %dma_wait3A_103 : memref<1x4x128xi32, #tpu.memory_space<vmem>> -> memref<4x128xi32, #tpu.memory_space<vmem>>
      %dma_wait3A_105 = arith.constant 0 : i32
      %dma_wait3A_106 = tpu.memref_slice %arg3[%arg0, %mul3A_0, %dma_wait3A_105] : memref<2x6272x128xi32, #tpu.memory_space<hbm>> -> memref<1x4x128xi32, #tpu.memory_space<hbm>>
      %dma_wait3A_107 = tpu.memref_squeeze %dma_wait3A_106 : memref<1x4x128xi32, #tpu.memory_space<hbm>> -> memref<4x128xi32, #tpu.memory_space<hbm>>
      %dma_wait3A_108 = arith.constant 0 : i32
      %dma_wait3A_109 = arith.constant 0 : i32
      %dma_wait3A_110 = tpu.memref_slice %arg7[%dma_wait3A_100, %dma_wait3A_108, %dma_wait3A_109] : memref<2x4x128xi32, #tpu.memory_space<vmem>> -> memref<1x4x128xi32, #tpu.memory_space<vmem>>
      %dma_wait3A_111 = tpu.memref_squeeze %dma_wait3A_110 : memref<1x4x128xi32, #tpu.memory_space<vmem>> -> memref<4x128xi32, #tpu.memory_space<vmem>>
      %dma_wait3A_112 = arith.constant 0 : i32
      %dma_wait3A_113 = tpu.memref_slice %arg3[%arg0, %mul3A_0, %dma_wait3A_112] : memref<2x6272x128xi32, #tpu.memory_space<hbm>> -> memref<1x4x128xi32, #tpu.memory_space<hbm>>
      %dma_wait3A_114 = tpu.memref_squeeze %dma_wait3A_113 : memref<1x4x128xi32, #tpu.memory_space<hbm>> -> memref<4x128xi32, #tpu.memory_space<hbm>>
      tpu.wait_dma2 semaphore(%arg11 : memref<!tpu.dma_semaphore, #tpu.memory_space<semaphore_mem>>) src(%dma_wait3A_114 : memref<4x128xi32, #tpu.memory_space<hbm>>) dst(%dma_wait3A_111 : memref<4x128xi32, #tpu.memory_space<vmem>>)
      %dma_wait3A_115 = arith.constant 0 : i32
      %dma_wait3A_116 = arith.constant 0 : i32
      %dma_wait3A_117 = arith.constant 0 : i32
      %dma_wait3A_118 = tpu.memref_slice %arg8[%dma_wait3A_115, %dma_wait3A_116, %dma_wait3A_117] : memref<2x4x128xi32, #tpu.memory_space<vmem>> -> memref<1x4x128xi32, #tpu.memory_space<vmem>>
      %dma_wait3A_119 = tpu.memref_squeeze %dma_wait3A_118 : memref<1x4x128xi32, #tpu.memory_space<vmem>> -> memref<4x128xi32, #tpu.memory_space<vmem>>
      %dma_wait3A_120 = arith.constant 0 : i32
      %dma_wait3A_121 = tpu.memref_slice %arg4[%mul3A_0, %dma_wait3A_120] : memref<6272x128xi32, #tpu.memory_space<hbm>> -> memref<4x128xi32, #tpu.memory_space<hbm>>
      %dma_wait3A_122 = arith.constant 0 : i32
      %dma_wait3A_123 = arith.constant 0 : i32
      %dma_wait3A_124 = tpu.memref_slice %arg8[%dma_wait3A_115, %dma_wait3A_122, %dma_wait3A_123] : memref<2x4x128xi32, #tpu.memory_space<vmem>> -> memref<1x4x128xi32, #tpu.memory_space<vmem>>
      %dma_wait3A_125 = tpu.memref_squeeze %dma_wait3A_124 : memref<1x4x128xi32, #tpu.memory_space<vmem>> -> memref<4x128xi32, #tpu.memory_space<vmem>>
      %dma_wait3A_126 = arith.constant 0 : i32
      %dma_wait3A_127 = tpu.memref_slice %arg4[%mul3A_0, %dma_wait3A_126] : memref<6272x128xi32, #tpu.memory_space<hbm>> -> memref<4x128xi32, #tpu.memory_space<hbm>>
      tpu.wait_dma2 semaphore(%arg11 : memref<!tpu.dma_semaphore, #tpu.memory_space<semaphore_mem>>) src(%dma_wait3A_127 : memref<4x128xi32, #tpu.memory_space<hbm>>) dst(%dma_wait3A_125 : memref<4x128xi32, #tpu.memory_space<vmem>>)
      %dma_start3A_128 = arith.constant 0 : i32
      %dma_start3A_129 = arith.constant 0 : i32
      %dma_start3A_130 = arith.constant 0 : i32
      %dma_start3A_131 = arith.constant 0 : i32
      %dma_start3A_132 = tpu.memref_slice %arg9[%dma_start3A_130, %dma_start3A_131] : memref<512x32xf32, #tpu.memory_space<vmem>> -> memref<128x32xf32, #tpu.memory_space<vmem>>
      %dma_start3A_133 = arith.constant 0 : i32
      %dma_start3A_134 = tpu.memref_slice %arg7[%dma_start3A_128, %dma_start3A_129, %dma_start3A_133] : memref<2x4x128xi32, #tpu.memory_space<vmem>> -> memref<1x1x128xi32, #tpu.memory_space<vmem>>
      %dma_start3A_135 = tpu.memref_squeeze %dma_start3A_134 : memref<1x1x128xi32, #tpu.memory_space<vmem>> -> memref<128xi32, #tpu.memory_space<vmem>>
      %dma_start3A_136 = arith.constant 0 : i32
      %dma_start3A_137 = arith.constant 0 : i32
      %dma_start3A_138 = tpu.memref_slice %arg2[%dma_start3A_136, %dma_start3A_137] : memref<100000x32xf32, #tpu.memory_space<hbm>> -> memref<100000x32xf32, #tpu.memory_space<hbm>>
      tpu.enqueue_indirect_dma source(%dma_start3A_138 : memref<100000x32xf32, #tpu.memory_space<hbm>>) target(%dma_start3A_132 : memref<128x32xf32, #tpu.memory_space<vmem>>) offsets(%dma_start3A_135 : memref<128xi32, #tpu.memory_space<vmem>>) semaphore(%arg13 : memref<!tpu.dma_semaphore, #tpu.memory_space<semaphore_mem>>)
      %dma_start3A_139 = arith.constant 0 : i32
      %dma_start3A_140 = arith.constant 1 : i32
      %dma_start3A_141 = arith.constant 128 : i32
      %dma_start3A_142 = arith.constant 0 : i32
      %dma_start3A_143 = tpu.memref_slice %arg9[%dma_start3A_141, %dma_start3A_142] : memref<512x32xf32, #tpu.memory_space<vmem>> -> memref<128x32xf32, #tpu.memory_space<vmem>>
      %dma_start3A_144 = arith.constant 0 : i32
      %dma_start3A_145 = tpu.memref_slice %arg7[%dma_start3A_139, %dma_start3A_140, %dma_start3A_144] : memref<2x4x128xi32, #tpu.memory_space<vmem>> -> memref<1x1x128xi32, #tpu.memory_space<vmem>>
      %dma_start3A_146 = tpu.memref_squeeze %dma_start3A_145 : memref<1x1x128xi32, #tpu.memory_space<vmem>> -> memref<128xi32, #tpu.memory_space<vmem>>
      %dma_start3A_147 = arith.constant 0 : i32
      %dma_start3A_148 = arith.constant 0 : i32
      %dma_start3A_149 = tpu.memref_slice %arg2[%dma_start3A_147, %dma_start3A_148] : memref<100000x32xf32, #tpu.memory_space<hbm>> -> memref<100000x32xf32, #tpu.memory_space<hbm>>
      tpu.enqueue_indirect_dma source(%dma_start3A_149 : memref<100000x32xf32, #tpu.memory_space<hbm>>) target(%dma_start3A_143 : memref<128x32xf32, #tpu.memory_space<vmem>>) offsets(%dma_start3A_146 : memref<128xi32, #tpu.memory_space<vmem>>) semaphore(%arg13 : memref<!tpu.dma_semaphore, #tpu.memory_space<semaphore_mem>>)
      %dma_start3A_150 = arith.constant 0 : i32
      %dma_start3A_151 = arith.constant 2 : i32
      %dma_start3A_152 = arith.constant 256 : i32
      %dma_start3A_153 = arith.constant 0 : i32
      %dma_start3A_154 = tpu.memref_slice %arg9[%dma_start3A_152, %dma_start3A_153] : memref<512x32xf32, #tpu.memory_space<vmem>> -> memref<128x32xf32, #tpu.memory_space<vmem>>
      %dma_start3A_155 = arith.constant 0 : i32
      %dma_start3A_156 = tpu.memref_slice %arg7[%dma_start3A_150, %dma_start3A_151, %dma_start3A_155] : memref<2x4x128xi32, #tpu.memory_space<vmem>> -> memref<1x1x128xi32, #tpu.memory_space<vmem>>
      %dma_start3A_157 = tpu.memref_squeeze %dma_start3A_156 : memref<1x1x128xi32, #tpu.memory_space<vmem>> -> memref<128xi32, #tpu.memory_space<vmem>>
      %dma_start3A_158 = arith.constant 0 : i32
      %dma_start3A_159 = arith.constant 0 : i32
      %dma_start3A_160 = tpu.memref_slice %arg2[%dma_start3A_158, %dma_start3A_159] : memref<100000x32xf32, #tpu.memory_space<hbm>> -> memref<100000x32xf32, #tpu.memory_space<hbm>>
      tpu.enqueue_indirect_dma source(%dma_start3A_160 : memref<100000x32xf32, #tpu.memory_space<hbm>>) target(%dma_start3A_154 : memref<128x32xf32, #tpu.memory_space<vmem>>) offsets(%dma_start3A_157 : memref<128xi32, #tpu.memory_space<vmem>>) semaphore(%arg13 : memref<!tpu.dma_semaphore, #tpu.memory_space<semaphore_mem>>)
      %dma_start3A_161 = arith.constant 0 : i32
      %dma_start3A_162 = arith.constant 3 : i32
      %dma_start3A_163 = arith.constant 384 : i32
      %dma_start3A_164 = arith.constant 0 : i32
      %dma_start3A_165 = tpu.memref_slice %arg9[%dma_start3A_163, %dma_start3A_164] : memref<512x32xf32, #tpu.memory_space<vmem>> -> memref<128x32xf32, #tpu.memory_space<vmem>>
      %dma_start3A_166 = arith.constant 0 : i32
      %dma_start3A_167 = tpu.memref_slice %arg7[%dma_start3A_161, %dma_start3A_162, %dma_start3A_166] : memref<2x4x128xi32, #tpu.memory_space<vmem>> -> memref<1x1x128xi32, #tpu.memory_space<vmem>>
      %dma_start3A_168 = tpu.memref_squeeze %dma_start3A_167 : memref<1x1x128xi32, #tpu.memory_space<vmem>> -> memref<128xi32, #tpu.memory_space<vmem>>
      %dma_start3A_169 = arith.constant 0 : i32
      %dma_start3A_170 = arith.constant 0 : i32
      %dma_start3A_171 = tpu.memref_slice %arg2[%dma_start3A_169, %dma_start3A_170] : memref<100000x32xf32, #tpu.memory_space<hbm>> -> memref<100000x32xf32, #tpu.memory_space<hbm>>
      tpu.enqueue_indirect_dma source(%dma_start3A_171 : memref<100000x32xf32, #tpu.memory_space<hbm>>) target(%dma_start3A_165 : memref<128x32xf32, #tpu.memory_space<vmem>>) offsets(%dma_start3A_168 : memref<128xi32, #tpu.memory_space<vmem>>) semaphore(%arg13 : memref<!tpu.dma_semaphore, #tpu.memory_space<semaphore_mem>>)
      %dma_wait3A_172 = arith.constant 0 : i32
      %dma_wait3A_173 = arith.constant 0 : i32
      %dma_wait3A_174 = arith.constant 0 : i32
      %dma_wait3A_175 = arith.constant 0 : i32
      %dma_wait3A_176 = tpu.memref_slice %arg9[%dma_wait3A_174, %dma_wait3A_175] : memref<512x32xf32, #tpu.memory_space<vmem>> -> memref<128x32xf32, #tpu.memory_space<vmem>>
      %dma_wait3A_177 = arith.constant 0 : i32
      %dma_wait3A_178 = tpu.memref_slice %arg7[%dma_wait3A_172, %dma_wait3A_173, %dma_wait3A_177] : memref<2x4x128xi32, #tpu.memory_space<vmem>> -> memref<1x1x128xi32, #tpu.memory_space<vmem>>
      %dma_wait3A_179 = tpu.memref_squeeze %dma_wait3A_178 : memref<1x1x128xi32, #tpu.memory_space<vmem>> -> memref<128xi32, #tpu.memory_space<vmem>>
      %dma_wait3A_180 = arith.constant 0 : i32
      %dma_wait3A_181 = arith.constant 0 : i32
      %dma_wait3A_182 = tpu.memref_slice %arg2[%dma_wait3A_180, %dma_wait3A_181] : memref<100000x32xf32, #tpu.memory_space<hbm>> -> memref<100000x32xf32, #tpu.memory_space<hbm>>
      tpu.wait_indirect_dma semaphore(%arg13 : memref<!tpu.dma_semaphore, #tpu.memory_space<semaphore_mem>>) src(%dma_wait3A_182 : memref<100000x32xf32, #tpu.memory_space<hbm>>) dst(%dma_wait3A_176 : memref<128x32xf32, #tpu.memory_space<vmem>>)
      %dma_start3A_183 = arith.constant 0 : i32
      %dma_start3A_184 = arith.constant 0 : i32
      %dma_start3A_185 = arith.constant 0 : i32
      %dma_start3A_186 = arith.constant 0 : i32
      %dma_start3A_187 = tpu.memref_slice %arg9[%dma_start3A_185, %dma_start3A_186] : memref<512x32xf32, #tpu.memory_space<vmem>> -> memref<128x32xf32, #tpu.memory_space<vmem>>
      %dma_start3A_188 = arith.constant 0 : i32
      %dma_start3A_189 = tpu.memref_slice %arg8[%dma_start3A_183, %dma_start3A_184, %dma_start3A_188] : memref<2x4x128xi32, #tpu.memory_space<vmem>> -> memref<1x1x128xi32, #tpu.memory_space<vmem>>
      %dma_start3A_190 = tpu.memref_squeeze %dma_start3A_189 : memref<1x1x128xi32, #tpu.memory_space<vmem>> -> memref<128xi32, #tpu.memory_space<vmem>>
      %dma_start3A_191 = arith.constant 0 : i32
      %dma_start3A_192 = arith.constant 0 : i32
      %dma_start3A_193 = tpu.memref_slice %arg10[%dma_start3A_191, %dma_start3A_192] : memref<50048x32xf32, #tpu.memory_space<vmem_shared>> -> memref<50048x32xf32, #tpu.memory_space<vmem_shared>>
      tpu.enqueue_indirect_dma source(%dma_start3A_187 : memref<128x32xf32, #tpu.memory_space<vmem>>) target(%dma_start3A_193 : memref<50048x32xf32, #tpu.memory_space<vmem_shared>>) offsets(%dma_start3A_190 : memref<128xi32, #tpu.memory_space<vmem>>) semaphore(%arg14 : memref<!tpu.dma_semaphore, #tpu.memory_space<semaphore_mem>>) {add = true}
      %dma_wait3A_194 = arith.constant 0 : i32
      %dma_wait3A_195 = arith.constant 1 : i32
      %dma_wait3A_196 = arith.constant 128 : i32
      %dma_wait3A_197 = arith.constant 0 : i32
      %dma_wait3A_198 = tpu.memref_slice %arg9[%dma_wait3A_196, %dma_wait3A_197] : memref<512x32xf32, #tpu.memory_space<vmem>> -> memref<128x32xf32, #tpu.memory_space<vmem>>
      %dma_wait3A_199 = arith.constant 0 : i32
      %dma_wait3A_200 = tpu.memref_slice %arg7[%dma_wait3A_194, %dma_wait3A_195, %dma_wait3A_199] : memref<2x4x128xi32, #tpu.memory_space<vmem>> -> memref<1x1x128xi32, #tpu.memory_space<vmem>>
      %dma_wait3A_201 = tpu.memref_squeeze %dma_wait3A_200 : memref<1x1x128xi32, #tpu.memory_space<vmem>> -> memref<128xi32, #tpu.memory_space<vmem>>
      %dma_wait3A_202 = arith.constant 0 : i32
      %dma_wait3A_203 = arith.constant 0 : i32
      %dma_wait3A_204 = tpu.memref_slice %arg2[%dma_wait3A_202, %dma_wait3A_203] : memref<100000x32xf32, #tpu.memory_space<hbm>> -> memref<100000x32xf32, #tpu.memory_space<hbm>>
      tpu.wait_indirect_dma semaphore(%arg13 : memref<!tpu.dma_semaphore, #tpu.memory_space<semaphore_mem>>) src(%dma_wait3A_204 : memref<100000x32xf32, #tpu.memory_space<hbm>>) dst(%dma_wait3A_198 : memref<128x32xf32, #tpu.memory_space<vmem>>)
      %dma_start3A_205 = arith.constant 0 : i32
      %dma_start3A_206 = arith.constant 1 : i32
      %dma_start3A_207 = arith.constant 128 : i32
      %dma_start3A_208 = arith.constant 0 : i32
      %dma_start3A_209 = tpu.memref_slice %arg9[%dma_start3A_207, %dma_start3A_208] : memref<512x32xf32, #tpu.memory_space<vmem>> -> memref<128x32xf32, #tpu.memory_space<vmem>>
      %dma_start3A_210 = arith.constant 0 : i32
      %dma_start3A_211 = tpu.memref_slice %arg8[%dma_start3A_205, %dma_start3A_206, %dma_start3A_210] : memref<2x4x128xi32, #tpu.memory_space<vmem>> -> memref<1x1x128xi32, #tpu.memory_space<vmem>>
      %dma_start3A_212 = tpu.memref_squeeze %dma_start3A_211 : memref<1x1x128xi32, #tpu.memory_space<vmem>> -> memref<128xi32, #tpu.memory_space<vmem>>
      %dma_start3A_213 = arith.constant 0 : i32
      %dma_start3A_214 = arith.constant 0 : i32
      %dma_start3A_215 = tpu.memref_slice %arg10[%dma_start3A_213, %dma_start3A_214] : memref<50048x32xf32, #tpu.memory_space<vmem_shared>> -> memref<50048x32xf32, #tpu.memory_space<vmem_shared>>
      tpu.enqueue_indirect_dma source(%dma_start3A_209 : memref<128x32xf32, #tpu.memory_space<vmem>>) target(%dma_start3A_215 : memref<50048x32xf32, #tpu.memory_space<vmem_shared>>) offsets(%dma_start3A_212 : memref<128xi32, #tpu.memory_space<vmem>>) semaphore(%arg14 : memref<!tpu.dma_semaphore, #tpu.memory_space<semaphore_mem>>) {add = true}
      %dma_wait3A_216 = arith.constant 0 : i32
      %dma_wait3A_217 = arith.constant 2 : i32
      %dma_wait3A_218 = arith.constant 256 : i32
      %dma_wait3A_219 = arith.constant 0 : i32
      %dma_wait3A_220 = tpu.memref_slice %arg9[%dma_wait3A_218, %dma_wait3A_219] : memref<512x32xf32, #tpu.memory_space<vmem>> -> memref<128x32xf32, #tpu.memory_space<vmem>>
      %dma_wait3A_221 = arith.constant 0 : i32
      %dma_wait3A_222 = tpu.memref_slice %arg7[%dma_wait3A_216, %dma_wait3A_217, %dma_wait3A_221] : memref<2x4x128xi32, #tpu.memory_space<vmem>> -> memref<1x1x128xi32, #tpu.memory_space<vmem>>
      %dma_wait3A_223 = tpu.memref_squeeze %dma_wait3A_222 : memref<1x1x128xi32, #tpu.memory_space<vmem>> -> memref<128xi32, #tpu.memory_space<vmem>>
      %dma_wait3A_224 = arith.constant 0 : i32
      %dma_wait3A_225 = arith.constant 0 : i32
      %dma_wait3A_226 = tpu.memref_slice %arg2[%dma_wait3A_224, %dma_wait3A_225] : memref<100000x32xf32, #tpu.memory_space<hbm>> -> memref<100000x32xf32, #tpu.memory_space<hbm>>
      tpu.wait_indirect_dma semaphore(%arg13 : memref<!tpu.dma_semaphore, #tpu.memory_space<semaphore_mem>>) src(%dma_wait3A_226 : memref<100000x32xf32, #tpu.memory_space<hbm>>) dst(%dma_wait3A_220 : memref<128x32xf32, #tpu.memory_space<vmem>>)
      %dma_start3A_227 = arith.constant 0 : i32
      %dma_start3A_228 = arith.constant 2 : i32
      %dma_start3A_229 = arith.constant 256 : i32
      %dma_start3A_230 = arith.constant 0 : i32
      %dma_start3A_231 = tpu.memref_slice %arg9[%dma_start3A_229, %dma_start3A_230] : memref<512x32xf32, #tpu.memory_space<vmem>> -> memref<128x32xf32, #tpu.memory_space<vmem>>
      %dma_start3A_232 = arith.constant 0 : i32
      %dma_start3A_233 = tpu.memref_slice %arg8[%dma_start3A_227, %dma_start3A_228, %dma_start3A_232] : memref<2x4x128xi32, #tpu.memory_space<vmem>> -> memref<1x1x128xi32, #tpu.memory_space<vmem>>
      %dma_start3A_234 = tpu.memref_squeeze %dma_start3A_233 : memref<1x1x128xi32, #tpu.memory_space<vmem>> -> memref<128xi32, #tpu.memory_space<vmem>>
      %dma_start3A_235 = arith.constant 0 : i32
      %dma_start3A_236 = arith.constant 0 : i32
      %dma_start3A_237 = tpu.memref_slice %arg10[%dma_start3A_235, %dma_start3A_236] : memref<50048x32xf32, #tpu.memory_space<vmem_shared>> -> memref<50048x32xf32, #tpu.memory_space<vmem_shared>>
      tpu.enqueue_indirect_dma source(%dma_start3A_231 : memref<128x32xf32, #tpu.memory_space<vmem>>) target(%dma_start3A_237 : memref<50048x32xf32, #tpu.memory_space<vmem_shared>>) offsets(%dma_start3A_234 : memref<128xi32, #tpu.memory_space<vmem>>) semaphore(%arg14 : memref<!tpu.dma_semaphore, #tpu.memory_space<semaphore_mem>>) {add = true}
      %dma_wait3A_238 = arith.constant 0 : i32
      %dma_wait3A_239 = arith.constant 3 : i32
      %dma_wait3A_240 = arith.constant 384 : i32
      %dma_wait3A_241 = arith.constant 0 : i32
      %dma_wait3A_242 = tpu.memref_slice %arg9[%dma_wait3A_240, %dma_wait3A_241] : memref<512x32xf32, #tpu.memory_space<vmem>> -> memref<128x32xf32, #tpu.memory_space<vmem>>
      %dma_wait3A_243 = arith.constant 0 : i32
      %dma_wait3A_244 = tpu.memref_slice %arg7[%dma_wait3A_238, %dma_wait3A_239, %dma_wait3A_243] : memref<2x4x128xi32, #tpu.memory_space<vmem>> -> memref<1x1x128xi32, #tpu.memory_space<vmem>>
      %dma_wait3A_245 = tpu.memref_squeeze %dma_wait3A_244 : memref<1x1x128xi32, #tpu.memory_space<vmem>> -> memref<128xi32, #tpu.memory_space<vmem>>
      %dma_wait3A_246 = arith.constant 0 : i32
      %dma_wait3A_247 = arith.constant 0 : i32
      %dma_wait3A_248 = tpu.memref_slice %arg2[%dma_wait3A_246, %dma_wait3A_247] : memref<100000x32xf32, #tpu.memory_space<hbm>> -> memref<100000x32xf32, #tpu.memory_space<hbm>>
      tpu.wait_indirect_dma semaphore(%arg13 : memref<!tpu.dma_semaphore, #tpu.memory_space<semaphore_mem>>) src(%dma_wait3A_248 : memref<100000x32xf32, #tpu.memory_space<hbm>>) dst(%dma_wait3A_242 : memref<128x32xf32, #tpu.memory_space<vmem>>)
      %dma_start3A_249 = arith.constant 0 : i32
      %dma_start3A_250 = arith.constant 3 : i32
      %dma_start3A_251 = arith.constant 384 : i32
      %dma_start3A_252 = arith.constant 0 : i32
      %dma_start3A_253 = tpu.memref_slice %arg9[%dma_start3A_251, %dma_start3A_252] : memref<512x32xf32, #tpu.memory_space<vmem>> -> memref<128x32xf32, #tpu.memory_space<vmem>>
      %dma_start3A_254 = arith.constant 0 : i32
      %dma_start3A_255 = tpu.memref_slice %arg8[%dma_start3A_249, %dma_start3A_250, %dma_start3A_254] : memref<2x4x128xi32, #tpu.memory_space<vmem>> -> memref<1x1x128xi32, #tpu.memory_space<vmem>>
      %dma_start3A_256 = tpu.memref_squeeze %dma_start3A_255 : memref<1x1x128xi32, #tpu.memory_space<vmem>> -> memref<128xi32, #tpu.memory_space<vmem>>
      %dma_start3A_257 = arith.constant 0 : i32
      %dma_start3A_258 = arith.constant 0 : i32
      %dma_start3A_259 = tpu.memref_slice %arg10[%dma_start3A_257, %dma_start3A_258] : memref<50048x32xf32, #tpu.memory_space<vmem_shared>> -> memref<50048x32xf32, #tpu.memory_space<vmem_shared>>
      tpu.enqueue_indirect_dma source(%dma_start3A_253 : memref<128x32xf32, #tpu.memory_space<vmem>>) target(%dma_start3A_259 : memref<50048x32xf32, #tpu.memory_space<vmem_shared>>) offsets(%dma_start3A_256 : memref<128xi32, #tpu.memory_space<vmem>>) semaphore(%arg14 : memref<!tpu.dma_semaphore, #tpu.memory_space<semaphore_mem>>) {add = true}
      %dma_wait3A_260 = arith.constant 1 : i32
      %dma_wait3A_261 = arith.constant 0 : i32
      %dma_wait3A_262 = arith.constant 0 : i32
      %dma_wait3A_263 = tpu.memref_slice %arg7[%dma_wait3A_260, %dma_wait3A_261, %dma_wait3A_262] : memref<2x4x128xi32, #tpu.memory_space<vmem>> -> memref<1x4x128xi32, #tpu.memory_space<vmem>>
      %dma_wait3A_264 = tpu.memref_squeeze %dma_wait3A_263 : memref<1x4x128xi32, #tpu.memory_space<vmem>> -> memref<4x128xi32, #tpu.memory_space<vmem>>
      %dma_wait3A_265 = arith.constant 0 : i32
      %dma_wait3A_266 = tpu.memref_slice %arg3[%arg0, %mul3A_0, %dma_wait3A_265] : memref<2x6272x128xi32, #tpu.memory_space<hbm>> -> memref<1x4x128xi32, #tpu.memory_space<hbm>>
      %dma_wait3A_267 = tpu.memref_squeeze %dma_wait3A_266 : memref<1x4x128xi32, #tpu.memory_space<hbm>> -> memref<4x128xi32, #tpu.memory_space<hbm>>
      %dma_wait3A_268 = arith.constant 0 : i32
      %dma_wait3A_269 = arith.constant 0 : i32
      %dma_wait3A_270 = tpu.memref_slice %arg7[%dma_wait3A_260, %dma_wait3A_268, %dma_wait3A_269] : memref<2x4x128xi32, #tpu.memory_space<vmem>> -> memref<1x4x128xi32, #tpu.memory_space<vmem>>
      %dma_wait3A_271 = tpu.memref_squeeze %dma_wait3A_270 : memref<1x4x128xi32, #tpu.memory_space<vmem>> -> memref<4x128xi32, #tpu.memory_space<vmem>>
      %dma_wait3A_272 = arith.constant 0 : i32
      %dma_wait3A_273 = tpu.memref_slice %arg3[%arg0, %mul3A_0, %dma_wait3A_272] : memref<2x6272x128xi32, #tpu.memory_space<hbm>> -> memref<1x4x128xi32, #tpu.memory_space<hbm>>
      %dma_wait3A_274 = tpu.memref_squeeze %dma_wait3A_273 : memref<1x4x128xi32, #tpu.memory_space<hbm>> -> memref<4x128xi32, #tpu.memory_space<hbm>>
      tpu.wait_dma2 semaphore(%arg12 : memref<!tpu.dma_semaphore, #tpu.memory_space<semaphore_mem>>) src(%dma_wait3A_274 : memref<4x128xi32, #tpu.memory_space<hbm>>) dst(%dma_wait3A_271 : memref<4x128xi32, #tpu.memory_space<vmem>>)
      %dma_wait3A_275 = arith.constant 1 : i32
      %dma_wait3A_276 = arith.constant 0 : i32
      %dma_wait3A_277 = arith.constant 0 : i32
      %dma_wait3A_278 = tpu.memref_slice %arg8[%dma_wait3A_275, %dma_wait3A_276, %dma_wait3A_277] : memref<2x4x128xi32, #tpu.memory_space<vmem>> -> memref<1x4x128xi32, #tpu.memory_space<vmem>>
      %dma_wait3A_279 = tpu.memref_squeeze %dma_wait3A_278 : memref<1x4x128xi32, #tpu.memory_space<vmem>> -> memref<4x128xi32, #tpu.memory_space<vmem>>
      %dma_wait3A_280 = arith.constant 0 : i32
      %dma_wait3A_281 = tpu.memref_slice %arg4[%mul3A_0, %dma_wait3A_280] : memref<6272x128xi32, #tpu.memory_space<hbm>> -> memref<4x128xi32, #tpu.memory_space<hbm>>
      %dma_wait3A_282 = arith.constant 0 : i32
      %dma_wait3A_283 = arith.constant 0 : i32
      %dma_wait3A_284 = tpu.memref_slice %arg8[%dma_wait3A_275, %dma_wait3A_282, %dma_wait3A_283] : memref<2x4x128xi32, #tpu.memory_space<vmem>> -> memref<1x4x128xi32, #tpu.memory_space<vmem>>
      %dma_wait3A_285 = tpu.memref_squeeze %dma_wait3A_284 : memref<1x4x128xi32, #tpu.memory_space<vmem>> -> memref<4x128xi32, #tpu.memory_space<vmem>>
      %dma_wait3A_286 = arith.constant 0 : i32
      %dma_wait3A_287 = tpu.memref_slice %arg4[%mul3A_0, %dma_wait3A_286] : memref<6272x128xi32, #tpu.memory_space<hbm>> -> memref<4x128xi32, #tpu.memory_space<hbm>>
      tpu.wait_dma2 semaphore(%arg12 : memref<!tpu.dma_semaphore, #tpu.memory_space<semaphore_mem>>) src(%dma_wait3A_287 : memref<4x128xi32, #tpu.memory_space<hbm>>) dst(%dma_wait3A_285 : memref<4x128xi32, #tpu.memory_space<vmem>>)
      %dma_wait3A_288 = arith.constant 0 : i32
      %dma_wait3A_289 = arith.constant 0 : i32
      %dma_wait3A_290 = arith.constant 0 : i32
      %dma_wait3A_291 = arith.constant 0 : i32
      %dma_wait3A_292 = tpu.memref_slice %arg9[%dma_wait3A_290, %dma_wait3A_291] : memref<512x32xf32, #tpu.memory_space<vmem>> -> memref<128x32xf32, #tpu.memory_space<vmem>>
      %dma_wait3A_293 = arith.constant 0 : i32
      %dma_wait3A_294 = tpu.memref_slice %arg8[%dma_wait3A_288, %dma_wait3A_289, %dma_wait3A_293] : memref<2x4x128xi32, #tpu.memory_space<vmem>> -> memref<1x1x128xi32, #tpu.memory_space<vmem>>
      %dma_wait3A_295 = tpu.memref_squeeze %dma_wait3A_294 : memref<1x1x128xi32, #tpu.memory_space<vmem>> -> memref<128xi32, #tpu.memory_space<vmem>>
      %dma_wait3A_296 = arith.constant 0 : i32
      %dma_wait3A_297 = arith.constant 0 : i32
      %dma_wait3A_298 = tpu.memref_slice %arg10[%dma_wait3A_296, %dma_wait3A_297] : memref<50048x32xf32, #tpu.memory_space<vmem_shared>> -> memref<50048x32xf32, #tpu.memory_space<vmem_shared>>
      tpu.wait_indirect_dma semaphore(%arg14 : memref<!tpu.dma_semaphore, #tpu.memory_space<semaphore_mem>>) src(%dma_wait3A_292 : memref<128x32xf32, #tpu.memory_space<vmem>>) dst(%dma_wait3A_298 : memref<50048x32xf32, #tpu.memory_space<vmem_shared>>)
      %dma_wait3A_299 = arith.constant 0 : i32
      %dma_wait3A_300 = arith.constant 1 : i32
      %dma_wait3A_301 = arith.constant 128 : i32
      %dma_wait3A_302 = arith.constant 0 : i32
      %dma_wait3A_303 = tpu.memref_slice %arg9[%dma_wait3A_301, %dma_wait3A_302] : memref<512x32xf32, #tpu.memory_space<vmem>> -> memref<128x32xf32, #tpu.memory_space<vmem>>
      %dma_wait3A_304 = arith.constant 0 : i32
      %dma_wait3A_305 = tpu.memref_slice %arg8[%dma_wait3A_299, %dma_wait3A_300, %dma_wait3A_304] : memref<2x4x128xi32, #tpu.memory_space<vmem>> -> memref<1x1x128xi32, #tpu.memory_space<vmem>>
      %dma_wait3A_306 = tpu.memref_squeeze %dma_wait3A_305 : memref<1x1x128xi32, #tpu.memory_space<vmem>> -> memref<128xi32, #tpu.memory_space<vmem>>
      %dma_wait3A_307 = arith.constant 0 : i32
      %dma_wait3A_308 = arith.constant 0 : i32
      %dma_wait3A_309 = tpu.memref_slice %arg10[%dma_wait3A_307, %dma_wait3A_308] : memref<50048x32xf32, #tpu.memory_space<vmem_shared>> -> memref<50048x32xf32, #tpu.memory_space<vmem_shared>>
      tpu.wait_indirect_dma semaphore(%arg14 : memref<!tpu.dma_semaphore, #tpu.memory_space<semaphore_mem>>) src(%dma_wait3A_303 : memref<128x32xf32, #tpu.memory_space<vmem>>) dst(%dma_wait3A_309 : memref<50048x32xf32, #tpu.memory_space<vmem_shared>>)
      %dma_wait3A_310 = arith.constant 0 : i32
      %dma_wait3A_311 = arith.constant 2 : i32
      %dma_wait3A_312 = arith.constant 256 : i32
      %dma_wait3A_313 = arith.constant 0 : i32
      %dma_wait3A_314 = tpu.memref_slice %arg9[%dma_wait3A_312, %dma_wait3A_313] : memref<512x32xf32, #tpu.memory_space<vmem>> -> memref<128x32xf32, #tpu.memory_space<vmem>>
      %dma_wait3A_315 = arith.constant 0 : i32
      %dma_wait3A_316 = tpu.memref_slice %arg8[%dma_wait3A_310, %dma_wait3A_311, %dma_wait3A_315] : memref<2x4x128xi32, #tpu.memory_space<vmem>> -> memref<1x1x128xi32, #tpu.memory_space<vmem>>
      %dma_wait3A_317 = tpu.memref_squeeze %dma_wait3A_316 : memref<1x1x128xi32, #tpu.memory_space<vmem>> -> memref<128xi32, #tpu.memory_space<vmem>>
      %dma_wait3A_318 = arith.constant 0 : i32
      %dma_wait3A_319 = arith.constant 0 : i32
      %dma_wait3A_320 = tpu.memref_slice %arg10[%dma_wait3A_318, %dma_wait3A_319] : memref<50048x32xf32, #tpu.memory_space<vmem_shared>> -> memref<50048x32xf32, #tpu.memory_space<vmem_shared>>
      tpu.wait_indirect_dma semaphore(%arg14 : memref<!tpu.dma_semaphore, #tpu.memory_space<semaphore_mem>>) src(%dma_wait3A_314 : memref<128x32xf32, #tpu.memory_space<vmem>>) dst(%dma_wait3A_320 : memref<50048x32xf32, #tpu.memory_space<vmem_shared>>)
      %dma_wait3A_321 = arith.constant 0 : i32
      %dma_wait3A_322 = arith.constant 3 : i32
      %dma_wait3A_323 = arith.constant 384 : i32
      %dma_wait3A_324 = arith.constant 0 : i32
      %dma_wait3A_325 = tpu.memref_slice %arg9[%dma_wait3A_323, %dma_wait3A_324] : memref<512x32xf32, #tpu.memory_space<vmem>> -> memref<128x32xf32, #tpu.memory_space<vmem>>
      %dma_wait3A_326 = arith.constant 0 : i32
      %dma_wait3A_327 = tpu.memref_slice %arg8[%dma_wait3A_321, %dma_wait3A_322, %dma_wait3A_326] : memref<2x4x128xi32, #tpu.memory_space<vmem>> -> memref<1x1x128xi32, #tpu.memory_space<vmem>>
      %dma_wait3A_328 = tpu.memref_squeeze %dma_wait3A_327 : memref<1x1x128xi32, #tpu.memory_space<vmem>> -> memref<128xi32, #tpu.memory_space<vmem>>
      %dma_wait3A_329 = arith.constant 0 : i32
      %dma_wait3A_330 = arith.constant 0 : i32
      %dma_wait3A_331 = tpu.memref_slice %arg10[%dma_wait3A_329, %dma_wait3A_330] : memref<50048x32xf32, #tpu.memory_space<vmem_shared>> -> memref<50048x32xf32, #tpu.memory_space<vmem_shared>>
      tpu.wait_indirect_dma semaphore(%arg14 : memref<!tpu.dma_semaphore, #tpu.memory_space<semaphore_mem>>) src(%dma_wait3A_325 : memref<128x32xf32, #tpu.memory_space<vmem>>) dst(%dma_wait3A_331 : memref<50048x32xf32, #tpu.memory_space<vmem_shared>>)
      %add3A_332 = arith.constant 2 : i32
      %add3A_333 = arith.addi %mul3A_66, %add3A_332 : i32
      %rem3A = arith.constant 98 : i32
      %rem3A_334 = arith.remsi %add3A_333, %rem3A : i32
      %mul3A_335 = arith.constant 4 : i32
      %mul3A_336 = arith.muli %rem3A_334, %mul3A_335 : i32
      %add3A_337 = arith.addi %mul3A_0, %mul3A_336 : i32
      %dma_start3A_338 = arith.constant 0 : i32
      %dma_start3A_339 = arith.constant 0 : i32
      %dma_start3A_340 = arith.constant 0 : i32
      %dma_start3A_341 = tpu.memref_slice %arg7[%dma_start3A_338, %dma_start3A_339, %dma_start3A_340] : memref<2x4x128xi32, #tpu.memory_space<vmem>> -> memref<1x4x128xi32, #tpu.memory_space<vmem>>
      %dma_start3A_342 = tpu.memref_squeeze %dma_start3A_341 : memref<1x4x128xi32, #tpu.memory_space<vmem>> -> memref<4x128xi32, #tpu.memory_space<vmem>>
      %dma_start3A_343 = arith.constant 0 : i32
      %dma_start3A_344 = tpu.memref_slice %arg3[%arg0, %add3A_337, %dma_start3A_343] : memref<2x6272x128xi32, #tpu.memory_space<hbm>> -> memref<1x4x128xi32, #tpu.memory_space<hbm>>
      %dma_start3A_345 = tpu.memref_squeeze %dma_start3A_344 : memref<1x4x128xi32, #tpu.memory_space<hbm>> -> memref<4x128xi32, #tpu.memory_space<hbm>>
      %dma_start3A_346 = arith.constant 0 : i32
      %dma_start3A_347 = arith.constant 0 : i32
      %dma_start3A_348 = tpu.memref_slice %arg7[%dma_start3A_338, %dma_start3A_346, %dma_start3A_347] : memref<2x4x128xi32, #tpu.memory_space<vmem>> -> memref<1x4x128xi32, #tpu.memory_space<vmem>>
      %dma_start3A_349 = tpu.memref_squeeze %dma_start3A_348 : memref<1x4x128xi32, #tpu.memory_space<vmem>> -> memref<4x128xi32, #tpu.memory_space<vmem>>
      %dma_start3A_350 = arith.constant 0 : i32
      %dma_start3A_351 = tpu.memref_slice %arg3[%arg0, %add3A_337, %dma_start3A_350] : memref<2x6272x128xi32, #tpu.memory_space<hbm>> -> memref<1x4x128xi32, #tpu.memory_space<hbm>>
      %dma_start3A_352 = tpu.memref_squeeze %dma_start3A_351 : memref<1x4x128xi32, #tpu.memory_space<hbm>> -> memref<4x128xi32, #tpu.memory_space<hbm>>
      tpu.enqueue_dma source(%dma_start3A_352 : memref<4x128xi32, #tpu.memory_space<hbm>>) target(%dma_start3A_349 : memref<4x128xi32, #tpu.memory_space<vmem>>) target_semaphore(%arg11 : memref<!tpu.dma_semaphore, #tpu.memory_space<semaphore_mem>>)
      %dma_start3A_353 = arith.constant 0 : i32
      %dma_start3A_354 = arith.constant 0 : i32
      %dma_start3A_355 = arith.constant 0 : i32
      %dma_start3A_356 = tpu.memref_slice %arg8[%dma_start3A_353, %dma_start3A_354, %dma_start3A_355] : memref<2x4x128xi32, #tpu.memory_space<vmem>> -> memref<1x4x128xi32, #tpu.memory_space<vmem>>
      %dma_start3A_357 = tpu.memref_squeeze %dma_start3A_356 : memref<1x4x128xi32, #tpu.memory_space<vmem>> -> memref<4x128xi32, #tpu.memory_space<vmem>>
      %dma_start3A_358 = arith.constant 0 : i32
      %dma_start3A_359 = tpu.memref_slice %arg4[%add3A_337, %dma_start3A_358] : memref<6272x128xi32, #tpu.memory_space<hbm>> -> memref<4x128xi32, #tpu.memory_space<hbm>>
      %dma_start3A_360 = arith.constant 0 : i32
      %dma_start3A_361 = arith.constant 0 : i32
      %dma_start3A_362 = tpu.memref_slice %arg8[%dma_start3A_353, %dma_start3A_360, %dma_start3A_361] : memref<2x4x128xi32, #tpu.memory_space<vmem>> -> memref<1x4x128xi32, #tpu.memory_space<vmem>>
      %dma_start3A_363 = tpu.memref_squeeze %dma_start3A_362 : memref<1x4x128xi32, #tpu.memory_space<vmem>> -> memref<4x128xi32, #tpu.memory_space<vmem>>
      %dma_start3A_364 = arith.constant 0 : i32
      %dma_start3A_365 = tpu.memref_slice %arg4[%add3A_337, %dma_start3A_364] : memref<6272x128xi32, #tpu.memory_space<hbm>> -> memref<4x128xi32, #tpu.memory_space<hbm>>
      tpu.enqueue_dma source(%dma_start3A_365 : memref<4x128xi32, #tpu.memory_space<hbm>>) target(%dma_start3A_363 : memref<4x128xi32, #tpu.memory_space<vmem>>) target_semaphore(%arg11 : memref<!tpu.dma_semaphore, #tpu.memory_space<semaphore_mem>>)
      %dma_start3A_366 = arith.constant 1 : i32
      %dma_start3A_367 = arith.constant 0 : i32
      %dma_start3A_368 = arith.constant 0 : i32
      %dma_start3A_369 = arith.constant 0 : i32
      %dma_start3A_370 = tpu.memref_slice %arg9[%dma_start3A_368, %dma_start3A_369] : memref<512x32xf32, #tpu.memory_space<vmem>> -> memref<128x32xf32, #tpu.memory_space<vmem>>
      %dma_start3A_371 = arith.constant 0 : i32
      %dma_start3A_372 = tpu.memref_slice %arg7[%dma_start3A_366, %dma_start3A_367, %dma_start3A_371] : memref<2x4x128xi32, #tpu.memory_space<vmem>> -> memref<1x1x128xi32, #tpu.memory_space<vmem>>
      %dma_start3A_373 = tpu.memref_squeeze %dma_start3A_372 : memref<1x1x128xi32, #tpu.memory_space<vmem>> -> memref<128xi32, #tpu.memory_space<vmem>>
      %dma_start3A_374 = arith.constant 0 : i32
      %dma_start3A_375 = arith.constant 0 : i32
      %dma_start3A_376 = tpu.memref_slice %arg2[%dma_start3A_374, %dma_start3A_375] : memref<100000x32xf32, #tpu.memory_space<hbm>> -> memref<100000x32xf32, #tpu.memory_space<hbm>>
      tpu.enqueue_indirect_dma source(%dma_start3A_376 : memref<100000x32xf32, #tpu.memory_space<hbm>>) target(%dma_start3A_370 : memref<128x32xf32, #tpu.memory_space<vmem>>) offsets(%dma_start3A_373 : memref<128xi32, #tpu.memory_space<vmem>>) semaphore(%arg13 : memref<!tpu.dma_semaphore, #tpu.memory_space<semaphore_mem>>)
      %dma_start3A_377 = arith.constant 1 : i32
      %dma_start3A_378 = arith.constant 1 : i32
      %dma_start3A_379 = arith.constant 128 : i32
      %dma_start3A_380 = arith.constant 0 : i32
      %dma_start3A_381 = tpu.memref_slice %arg9[%dma_start3A_379, %dma_start3A_380] : memref<512x32xf32, #tpu.memory_space<vmem>> -> memref<128x32xf32, #tpu.memory_space<vmem>>
      %dma_start3A_382 = arith.constant 0 : i32
      %dma_start3A_383 = tpu.memref_slice %arg7[%dma_start3A_377, %dma_start3A_378, %dma_start3A_382] : memref<2x4x128xi32, #tpu.memory_space<vmem>> -> memref<1x1x128xi32, #tpu.memory_space<vmem>>
      %dma_start3A_384 = tpu.memref_squeeze %dma_start3A_383 : memref<1x1x128xi32, #tpu.memory_space<vmem>> -> memref<128xi32, #tpu.memory_space<vmem>>
      %dma_start3A_385 = arith.constant 0 : i32
      %dma_start3A_386 = arith.constant 0 : i32
      %dma_start3A_387 = tpu.memref_slice %arg2[%dma_start3A_385, %dma_start3A_386] : memref<100000x32xf32, #tpu.memory_space<hbm>> -> memref<100000x32xf32, #tpu.memory_space<hbm>>
      tpu.enqueue_indirect_dma source(%dma_start3A_387 : memref<100000x32xf32, #tpu.memory_space<hbm>>) target(%dma_start3A_381 : memref<128x32xf32, #tpu.memory_space<vmem>>) offsets(%dma_start3A_384 : memref<128xi32, #tpu.memory_space<vmem>>) semaphore(%arg13 : memref<!tpu.dma_semaphore, #tpu.memory_space<semaphore_mem>>)
      %dma_start3A_388 = arith.constant 1 : i32
      %dma_start3A_389 = arith.constant 2 : i32
      %dma_start3A_390 = arith.constant 256 : i32
      %dma_start3A_391 = arith.constant 0 : i32
      %dma_start3A_392 = tpu.memref_slice %arg9[%dma_start3A_390, %dma_start3A_391] : memref<512x32xf32, #tpu.memory_space<vmem>> -> memref<128x32xf32, #tpu.memory_space<vmem>>
      %dma_start3A_393 = arith.constant 0 : i32
      %dma_start3A_394 = tpu.memref_slice %arg7[%dma_start3A_388, %dma_start3A_389, %dma_start3A_393] : memref<2x4x128xi32, #tpu.memory_space<vmem>> -> memref<1x1x128xi32, #tpu.memory_space<vmem>>
      %dma_start3A_395 = tpu.memref_squeeze %dma_start3A_394 : memref<1x1x128xi32, #tpu.memory_space<vmem>> -> memref<128xi32, #tpu.memory_space<vmem>>
      %dma_start3A_396 = arith.constant 0 : i32
      %dma_start3A_397 = arith.constant 0 : i32
      %dma_start3A_398 = tpu.memref_slice %arg2[%dma_start3A_396, %dma_start3A_397] : memref<100000x32xf32, #tpu.memory_space<hbm>> -> memref<100000x32xf32, #tpu.memory_space<hbm>>
      tpu.enqueue_indirect_dma source(%dma_start3A_398 : memref<100000x32xf32, #tpu.memory_space<hbm>>) target(%dma_start3A_392 : memref<128x32xf32, #tpu.memory_space<vmem>>) offsets(%dma_start3A_395 : memref<128xi32, #tpu.memory_space<vmem>>) semaphore(%arg13 : memref<!tpu.dma_semaphore, #tpu.memory_space<semaphore_mem>>)
      %dma_start3A_399 = arith.constant 1 : i32
      %dma_start3A_400 = arith.constant 3 : i32
      %dma_start3A_401 = arith.constant 384 : i32
      %dma_start3A_402 = arith.constant 0 : i32
      %dma_start3A_403 = tpu.memref_slice %arg9[%dma_start3A_401, %dma_start3A_402] : memref<512x32xf32, #tpu.memory_space<vmem>> -> memref<128x32xf32, #tpu.memory_space<vmem>>
      %dma_start3A_404 = arith.constant 0 : i32
      %dma_start3A_405 = tpu.memref_slice %arg7[%dma_start3A_399, %dma_start3A_400, %dma_start3A_404] : memref<2x4x128xi32, #tpu.memory_space<vmem>> -> memref<1x1x128xi32, #tpu.memory_space<vmem>>
      %dma_start3A_406 = tpu.memref_squeeze %dma_start3A_405 : memref<1x1x128xi32, #tpu.memory_space<vmem>> -> memref<128xi32, #tpu.memory_space<vmem>>
      %dma_start3A_407 = arith.constant 0 : i32
      %dma_start3A_408 = arith.constant 0 : i32
      %dma_start3A_409 = tpu.memref_slice %arg2[%dma_start3A_407, %dma_start3A_408] : memref<100000x32xf32, #tpu.memory_space<hbm>> -> memref<100000x32xf32, #tpu.memory_space<hbm>>
      tpu.enqueue_indirect_dma source(%dma_start3A_409 : memref<100000x32xf32, #tpu.memory_space<hbm>>) target(%dma_start3A_403 : memref<128x32xf32, #tpu.memory_space<vmem>>) offsets(%dma_start3A_406 : memref<128xi32, #tpu.memory_space<vmem>>) semaphore(%arg13 : memref<!tpu.dma_semaphore, #tpu.memory_space<semaphore_mem>>)
      %dma_wait3A_410 = arith.constant 1 : i32
      %dma_wait3A_411 = arith.constant 0 : i32
      %dma_wait3A_412 = arith.constant 0 : i32
      %dma_wait3A_413 = arith.constant 0 : i32
      %dma_wait3A_414 = tpu.memref_slice %arg9[%dma_wait3A_412, %dma_wait3A_413] : memref<512x32xf32, #tpu.memory_space<vmem>> -> memref<128x32xf32, #tpu.memory_space<vmem>>
      %dma_wait3A_415 = arith.constant 0 : i32
      %dma_wait3A_416 = tpu.memref_slice %arg7[%dma_wait3A_410, %dma_wait3A_411, %dma_wait3A_415] : memref<2x4x128xi32, #tpu.memory_space<vmem>> -> memref<1x1x128xi32, #tpu.memory_space<vmem>>
      %dma_wait3A_417 = tpu.memref_squeeze %dma_wait3A_416 : memref<1x1x128xi32, #tpu.memory_space<vmem>> -> memref<128xi32, #tpu.memory_space<vmem>>
      %dma_wait3A_418 = arith.constant 0 : i32
      %dma_wait3A_419 = arith.constant 0 : i32
      %dma_wait3A_420 = tpu.memref_slice %arg2[%dma_wait3A_418, %dma_wait3A_419] : memref<100000x32xf32, #tpu.memory_space<hbm>> -> memref<100000x32xf32, #tpu.memory_space<hbm>>
      tpu.wait_indirect_dma semaphore(%arg13 : memref<!tpu.dma_semaphore, #tpu.memory_space<semaphore_mem>>) src(%dma_wait3A_420 : memref<100000x32xf32, #tpu.memory_space<hbm>>) dst(%dma_wait3A_414 : memref<128x32xf32, #tpu.memory_space<vmem>>)
      %dma_start3A_421 = arith.constant 1 : i32
      %dma_start3A_422 = arith.constant 0 : i32
      %dma_start3A_423 = arith.constant 0 : i32
      %dma_start3A_424 = arith.constant 0 : i32
      %dma_start3A_425 = tpu.memref_slice %arg9[%dma_start3A_423, %dma_start3A_424] : memref<512x32xf32, #tpu.memory_space<vmem>> -> memref<128x32xf32, #tpu.memory_space<vmem>>
      %dma_start3A_426 = arith.constant 0 : i32
      %dma_start3A_427 = tpu.memref_slice %arg8[%dma_start3A_421, %dma_start3A_422, %dma_start3A_426] : memref<2x4x128xi32, #tpu.memory_space<vmem>> -> memref<1x1x128xi32, #tpu.memory_space<vmem>>
      %dma_start3A_428 = tpu.memref_squeeze %dma_start3A_427 : memref<1x1x128xi32, #tpu.memory_space<vmem>> -> memref<128xi32, #tpu.memory_space<vmem>>
      %dma_start3A_429 = arith.constant 0 : i32
      %dma_start3A_430 = arith.constant 0 : i32
      %dma_start3A_431 = tpu.memref_slice %arg10[%dma_start3A_429, %dma_start3A_430] : memref<50048x32xf32, #tpu.memory_space<vmem_shared>> -> memref<50048x32xf32, #tpu.memory_space<vmem_shared>>
      tpu.enqueue_indirect_dma source(%dma_start3A_425 : memref<128x32xf32, #tpu.memory_space<vmem>>) target(%dma_start3A_431 : memref<50048x32xf32, #tpu.memory_space<vmem_shared>>) offsets(%dma_start3A_428 : memref<128xi32, #tpu.memory_space<vmem>>) semaphore(%arg14 : memref<!tpu.dma_semaphore, #tpu.memory_space<semaphore_mem>>) {add = true}
      %dma_wait3A_432 = arith.constant 1 : i32
      %dma_wait3A_433 = arith.constant 1 : i32
      %dma_wait3A_434 = arith.constant 128 : i32
      %dma_wait3A_435 = arith.constant 0 : i32
      %dma_wait3A_436 = tpu.memref_slice %arg9[%dma_wait3A_434, %dma_wait3A_435] : memref<512x32xf32, #tpu.memory_space<vmem>> -> memref<128x32xf32, #tpu.memory_space<vmem>>
      %dma_wait3A_437 = arith.constant 0 : i32
      %dma_wait3A_438 = tpu.memref_slice %arg7[%dma_wait3A_432, %dma_wait3A_433, %dma_wait3A_437] : memref<2x4x128xi32, #tpu.memory_space<vmem>> -> memref<1x1x128xi32, #tpu.memory_space<vmem>>
      %dma_wait3A_439 = tpu.memref_squeeze %dma_wait3A_438 : memref<1x1x128xi32, #tpu.memory_space<vmem>> -> memref<128xi32, #tpu.memory_space<vmem>>
      %dma_wait3A_440 = arith.constant 0 : i32
      %dma_wait3A_441 = arith.constant 0 : i32
      %dma_wait3A_442 = tpu.memref_slice %arg2[%dma_wait3A_440, %dma_wait3A_441] : memref<100000x32xf32, #tpu.memory_space<hbm>> -> memref<100000x32xf32, #tpu.memory_space<hbm>>
      tpu.wait_indirect_dma semaphore(%arg13 : memref<!tpu.dma_semaphore, #tpu.memory_space<semaphore_mem>>) src(%dma_wait3A_442 : memref<100000x32xf32, #tpu.memory_space<hbm>>) dst(%dma_wait3A_436 : memref<128x32xf32, #tpu.memory_space<vmem>>)
      %dma_start3A_443 = arith.constant 1 : i32
      %dma_start3A_444 = arith.constant 1 : i32
      %dma_start3A_445 = arith.constant 128 : i32
      %dma_start3A_446 = arith.constant 0 : i32
      %dma_start3A_447 = tpu.memref_slice %arg9[%dma_start3A_445, %dma_start3A_446] : memref<512x32xf32, #tpu.memory_space<vmem>> -> memref<128x32xf32, #tpu.memory_space<vmem>>
      %dma_start3A_448 = arith.constant 0 : i32
      %dma_start3A_449 = tpu.memref_slice %arg8[%dma_start3A_443, %dma_start3A_444, %dma_start3A_448] : memref<2x4x128xi32, #tpu.memory_space<vmem>> -> memref<1x1x128xi32, #tpu.memory_space<vmem>>
      %dma_start3A_450 = tpu.memref_squeeze %dma_start3A_449 : memref<1x1x128xi32, #tpu.memory_space<vmem>> -> memref<128xi32, #tpu.memory_space<vmem>>
      %dma_start3A_451 = arith.constant 0 : i32
      %dma_start3A_452 = arith.constant 0 : i32
      %dma_start3A_453 = tpu.memref_slice %arg10[%dma_start3A_451, %dma_start3A_452] : memref<50048x32xf32, #tpu.memory_space<vmem_shared>> -> memref<50048x32xf32, #tpu.memory_space<vmem_shared>>
      tpu.enqueue_indirect_dma source(%dma_start3A_447 : memref<128x32xf32, #tpu.memory_space<vmem>>) target(%dma_start3A_453 : memref<50048x32xf32, #tpu.memory_space<vmem_shared>>) offsets(%dma_start3A_450 : memref<128xi32, #tpu.memory_space<vmem>>) semaphore(%arg14 : memref<!tpu.dma_semaphore, #tpu.memory_space<semaphore_mem>>) {add = true}
      %dma_wait3A_454 = arith.constant 1 : i32
      %dma_wait3A_455 = arith.constant 2 : i32
      %dma_wait3A_456 = arith.constant 256 : i32
      %dma_wait3A_457 = arith.constant 0 : i32
      %dma_wait3A_458 = tpu.memref_slice %arg9[%dma_wait3A_456, %dma_wait3A_457] : memref<512x32xf32, #tpu.memory_space<vmem>> -> memref<128x32xf32, #tpu.memory_space<vmem>>
      %dma_wait3A_459 = arith.constant 0 : i32
      %dma_wait3A_460 = tpu.memref_slice %arg7[%dma_wait3A_454, %dma_wait3A_455, %dma_wait3A_459] : memref<2x4x128xi32, #tpu.memory_space<vmem>> -> memref<1x1x128xi32, #tpu.memory_space<vmem>>
      %dma_wait3A_461 = tpu.memref_squeeze %dma_wait3A_460 : memref<1x1x128xi32, #tpu.memory_space<vmem>> -> memref<128xi32, #tpu.memory_space<vmem>>
      %dma_wait3A_462 = arith.constant 0 : i32
      %dma_wait3A_463 = arith.constant 0 : i32
      %dma_wait3A_464 = tpu.memref_slice %arg2[%dma_wait3A_462, %dma_wait3A_463] : memref<100000x32xf32, #tpu.memory_space<hbm>> -> memref<100000x32xf32, #tpu.memory_space<hbm>>
      tpu.wait_indirect_dma semaphore(%arg13 : memref<!tpu.dma_semaphore, #tpu.memory_space<semaphore_mem>>) src(%dma_wait3A_464 : memref<100000x32xf32, #tpu.memory_space<hbm>>) dst(%dma_wait3A_458 : memref<128x32xf32, #tpu.memory_space<vmem>>)
      %dma_start3A_465 = arith.constant 1 : i32
      %dma_start3A_466 = arith.constant 2 : i32
      %dma_start3A_467 = arith.constant 256 : i32
      %dma_start3A_468 = arith.constant 0 : i32
      %dma_start3A_469 = tpu.memref_slice %arg9[%dma_start3A_467, %dma_start3A_468] : memref<512x32xf32, #tpu.memory_space<vmem>> -> memref<128x32xf32, #tpu.memory_space<vmem>>
      %dma_start3A_470 = arith.constant 0 : i32
      %dma_start3A_471 = tpu.memref_slice %arg8[%dma_start3A_465, %dma_start3A_466, %dma_start3A_470] : memref<2x4x128xi32, #tpu.memory_space<vmem>> -> memref<1x1x128xi32, #tpu.memory_space<vmem>>
      %dma_start3A_472 = tpu.memref_squeeze %dma_start3A_471 : memref<1x1x128xi32, #tpu.memory_space<vmem>> -> memref<128xi32, #tpu.memory_space<vmem>>
      %dma_start3A_473 = arith.constant 0 : i32
      %dma_start3A_474 = arith.constant 0 : i32
      %dma_start3A_475 = tpu.memref_slice %arg10[%dma_start3A_473, %dma_start3A_474] : memref<50048x32xf32, #tpu.memory_space<vmem_shared>> -> memref<50048x32xf32, #tpu.memory_space<vmem_shared>>
      tpu.enqueue_indirect_dma source(%dma_start3A_469 : memref<128x32xf32, #tpu.memory_space<vmem>>) target(%dma_start3A_475 : memref<50048x32xf32, #tpu.memory_space<vmem_shared>>) offsets(%dma_start3A_472 : memref<128xi32, #tpu.memory_space<vmem>>) semaphore(%arg14 : memref<!tpu.dma_semaphore, #tpu.memory_space<semaphore_mem>>) {add = true}
      %dma_wait3A_476 = arith.constant 1 : i32
      %dma_wait3A_477 = arith.constant 3 : i32
      %dma_wait3A_478 = arith.constant 384 : i32
      %dma_wait3A_479 = arith.constant 0 : i32
      %dma_wait3A_480 = tpu.memref_slice %arg9[%dma_wait3A_478, %dma_wait3A_479] : memref<512x32xf32, #tpu.memory_space<vmem>> -> memref<128x32xf32, #tpu.memory_space<vmem>>
      %dma_wait3A_481 = arith.constant 0 : i32
      %dma_wait3A_482 = tpu.memref_slice %arg7[%dma_wait3A_476, %dma_wait3A_477, %dma_wait3A_481] : memref<2x4x128xi32, #tpu.memory_space<vmem>> -> memref<1x1x128xi32, #tpu.memory_space<vmem>>
      %dma_wait3A_483 = tpu.memref_squeeze %dma_wait3A_482 : memref<1x1x128xi32, #tpu.memory_space<vmem>> -> memref<128xi32, #tpu.memory_space<vmem>>
      %dma_wait3A_484 = arith.constant 0 : i32
      %dma_wait3A_485 = arith.constant 0 : i32
      %dma_wait3A_486 = tpu.memref_slice %arg2[%dma_wait3A_484, %dma_wait3A_485] : memref<100000x32xf32, #tpu.memory_space<hbm>> -> memref<100000x32xf32, #tpu.memory_space<hbm>>
      tpu.wait_indirect_dma semaphore(%arg13 : memref<!tpu.dma_semaphore, #tpu.memory_space<semaphore_mem>>) src(%dma_wait3A_486 : memref<100000x32xf32, #tpu.memory_space<hbm>>) dst(%dma_wait3A_480 : memref<128x32xf32, #tpu.memory_space<vmem>>)
      %dma_start3A_487 = arith.constant 1 : i32
      %dma_start3A_488 = arith.constant 3 : i32
      %dma_start3A_489 = arith.constant 384 : i32
      %dma_start3A_490 = arith.constant 0 : i32
      %dma_start3A_491 = tpu.memref_slice %arg9[%dma_start3A_489, %dma_start3A_490] : memref<512x32xf32, #tpu.memory_space<vmem>> -> memref<128x32xf32, #tpu.memory_space<vmem>>
      %dma_start3A_492 = arith.constant 0 : i32
      %dma_start3A_493 = tpu.memref_slice %arg8[%dma_start3A_487, %dma_start3A_488, %dma_start3A_492] : memref<2x4x128xi32, #tpu.memory_space<vmem>> -> memref<1x1x128xi32, #tpu.memory_space<vmem>>
      %dma_start3A_494 = tpu.memref_squeeze %dma_start3A_493 : memref<1x1x128xi32, #tpu.memory_space<vmem>> -> memref<128xi32, #tpu.memory_space<vmem>>
      %dma_start3A_495 = arith.constant 0 : i32
      %dma_start3A_496 = arith.constant 0 : i32
      %dma_start3A_497 = tpu.memref_slice %arg10[%dma_start3A_495, %dma_start3A_496] : memref<50048x32xf32, #tpu.memory_space<vmem_shared>> -> memref<50048x32xf32, #tpu.memory_space<vmem_shared>>
      tpu.enqueue_indirect_dma source(%dma_start3A_491 : memref<128x32xf32, #tpu.memory_space<vmem>>) target(%dma_start3A_497 : memref<50048x32xf32, #tpu.memory_space<vmem_shared>>) offsets(%dma_start3A_494 : memref<128xi32, #tpu.memory_space<vmem>>) semaphore(%arg14 : memref<!tpu.dma_semaphore, #tpu.memory_space<semaphore_mem>>) {add = true}
      %dma_wait3A_498 = arith.constant 1 : i32
      %dma_wait3A_499 = arith.constant 0 : i32
      %dma_wait3A_500 = arith.constant 0 : i32
      %dma_wait3A_501 = arith.constant 0 : i32
      %dma_wait3A_502 = tpu.memref_slice %arg9[%dma_wait3A_500, %dma_wait3A_501] : memref<512x32xf32, #tpu.memory_space<vmem>> -> memref<128x32xf32, #tpu.memory_space<vmem>>
      %dma_wait3A_503 = arith.constant 0 : i32
      %dma_wait3A_504 = tpu.memref_slice %arg8[%dma_wait3A_498, %dma_wait3A_499, %dma_wait3A_503] : memref<2x4x128xi32, #tpu.memory_space<vmem>> -> memref<1x1x128xi32, #tpu.memory_space<vmem>>
      %dma_wait3A_505 = tpu.memref_squeeze %dma_wait3A_504 : memref<1x1x128xi32, #tpu.memory_space<vmem>> -> memref<128xi32, #tpu.memory_space<vmem>>
      %dma_wait3A_506 = arith.constant 0 : i32
      %dma_wait3A_507 = arith.constant 0 : i32
      %dma_wait3A_508 = tpu.memref_slice %arg10[%dma_wait3A_506, %dma_wait3A_507] : memref<50048x32xf32, #tpu.memory_space<vmem_shared>> -> memref<50048x32xf32, #tpu.memory_space<vmem_shared>>
      tpu.wait_indirect_dma semaphore(%arg14 : memref<!tpu.dma_semaphore, #tpu.memory_space<semaphore_mem>>) src(%dma_wait3A_502 : memref<128x32xf32, #tpu.memory_space<vmem>>) dst(%dma_wait3A_508 : memref<50048x32xf32, #tpu.memory_space<vmem_shared>>)
      %dma_wait3A_509 = arith.constant 1 : i32
      %dma_wait3A_510 = arith.constant 1 : i32
      %dma_wait3A_511 = arith.constant 128 : i32
      %dma_wait3A_512 = arith.constant 0 : i32
      %dma_wait3A_513 = tpu.memref_slice %arg9[%dma_wait3A_511, %dma_wait3A_512] : memref<512x32xf32, #tpu.memory_space<vmem>> -> memref<128x32xf32, #tpu.memory_space<vmem>>
      %dma_wait3A_514 = arith.constant 0 : i32
      %dma_wait3A_515 = tpu.memref_slice %arg8[%dma_wait3A_509, %dma_wait3A_510, %dma_wait3A_514] : memref<2x4x128xi32, #tpu.memory_space<vmem>> -> memref<1x1x128xi32, #tpu.memory_space<vmem>>
      %dma_wait3A_516 = tpu.memref_squeeze %dma_wait3A_515 : memref<1x1x128xi32, #tpu.memory_space<vmem>> -> memref<128xi32, #tpu.memory_space<vmem>>
      %dma_wait3A_517 = arith.constant 0 : i32
      %dma_wait3A_518 = arith.constant 0 : i32
      %dma_wait3A_519 = tpu.memref_slice %arg10[%dma_wait3A_517, %dma_wait3A_518] : memref<50048x32xf32, #tpu.memory_space<vmem_shared>> -> memref<50048x32xf32, #tpu.memory_space<vmem_shared>>
      tpu.wait_indirect_dma semaphore(%arg14 : memref<!tpu.dma_semaphore, #tpu.memory_space<semaphore_mem>>) src(%dma_wait3A_513 : memref<128x32xf32, #tpu.memory_space<vmem>>) dst(%dma_wait3A_519 : memref<50048x32xf32, #tpu.memory_space<vmem_shared>>)
      %dma_wait3A_520 = arith.constant 1 : i32
      %dma_wait3A_521 = arith.constant 2 : i32
      %dma_wait3A_522 = arith.constant 256 : i32
      %dma_wait3A_523 = arith.constant 0 : i32
      %dma_wait3A_524 = tpu.memref_slice %arg9[%dma_wait3A_522, %dma_wait3A_523] : memref<512x32xf32, #tpu.memory_space<vmem>> -> memref<128x32xf32, #tpu.memory_space<vmem>>
      %dma_wait3A_525 = arith.constant 0 : i32
      %dma_wait3A_526 = tpu.memref_slice %arg8[%dma_wait3A_520, %dma_wait3A_521, %dma_wait3A_525] : memref<2x4x128xi32, #tpu.memory_space<vmem>> -> memref<1x1x128xi32, #tpu.memory_space<vmem>>
      %dma_wait3A_527 = tpu.memref_squeeze %dma_wait3A_526 : memref<1x1x128xi32, #tpu.memory_space<vmem>> -> memref<128xi32, #tpu.memory_space<vmem>>
      %dma_wait3A_528 = arith.constant 0 : i32
      %dma_wait3A_529 = arith.constant 0 : i32
      %dma_wait3A_530 = tpu.memref_slice %arg10[%dma_wait3A_528, %dma_wait3A_529] : memref<50048x32xf32, #tpu.memory_space<vmem_shared>> -> memref<50048x32xf32, #tpu.memory_space<vmem_shared>>
      tpu.wait_indirect_dma semaphore(%arg14 : memref<!tpu.dma_semaphore, #tpu.memory_space<semaphore_mem>>) src(%dma_wait3A_524 : memref<128x32xf32, #tpu.memory_space<vmem>>) dst(%dma_wait3A_530 : memref<50048x32xf32, #tpu.memory_space<vmem_shared>>)
      %dma_wait3A_531 = arith.constant 1 : i32
      %dma_wait3A_532 = arith.constant 3 : i32
      %dma_wait3A_533 = arith.constant 384 : i32
      %dma_wait3A_534 = arith.constant 0 : i32
      %dma_wait3A_535 = tpu.memref_slice %arg9[%dma_wait3A_533, %dma_wait3A_534] : memref<512x32xf32, #tpu.memory_space<vmem>> -> memref<128x32xf32, #tpu.memory_space<vmem>>
      %dma_wait3A_536 = arith.constant 0 : i32
      %dma_wait3A_537 = tpu.memref_slice %arg8[%dma_wait3A_531, %dma_wait3A_532, %dma_wait3A_536] : memref<2x4x128xi32, #tpu.memory_space<vmem>> -> memref<1x1x128xi32, #tpu.memory_space<vmem>>
      %dma_wait3A_538 = tpu.memref_squeeze %dma_wait3A_537 : memref<1x1x128xi32, #tpu.memory_space<vmem>> -> memref<128xi32, #tpu.memory_space<vmem>>
      %dma_wait3A_539 = arith.constant 0 : i32
      %dma_wait3A_540 = arith.constant 0 : i32
      %dma_wait3A_541 = tpu.memref_slice %arg10[%dma_wait3A_539, %dma_wait3A_540] : memref<50048x32xf32, #tpu.memory_space<vmem_shared>> -> memref<50048x32xf32, #tpu.memory_space<vmem_shared>>
      tpu.wait_indirect_dma semaphore(%arg14 : memref<!tpu.dma_semaphore, #tpu.memory_space<semaphore_mem>>) src(%dma_wait3A_535 : memref<128x32xf32, #tpu.memory_space<vmem>>) dst(%dma_wait3A_541 : memref<50048x32xf32, #tpu.memory_space<vmem_shared>>)
    }
    %scan3A_35 = arith.constant 49 : i32
    %dma_wait3A = arith.constant 0 : i32
    %dma_wait3A_36 = arith.constant 0 : i32
    %dma_wait3A_37 = arith.constant 0 : i32
    %dma_wait3A_38 = tpu.memref_slice %arg7[%dma_wait3A, %dma_wait3A_36, %dma_wait3A_37] : memref<2x4x128xi32, #tpu.memory_space<vmem>> -> memref<1x4x128xi32, #tpu.memory_space<vmem>>
    %dma_wait3A_39 = tpu.memref_squeeze %dma_wait3A_38 : memref<1x4x128xi32, #tpu.memory_space<vmem>> -> memref<4x128xi32, #tpu.memory_space<vmem>>
    %dma_wait3A_40 = arith.constant 0 : i32
    %dma_wait3A_41 = tpu.memref_slice %arg3[%arg0, %mul3A_0, %dma_wait3A_40] : memref<2x6272x128xi32, #tpu.memory_space<hbm>> -> memref<1x4x128xi32, #tpu.memory_space<hbm>>
    %dma_wait3A_42 = tpu.memref_squeeze %dma_wait3A_41 : memref<1x4x128xi32, #tpu.memory_space<hbm>> -> memref<4x128xi32, #tpu.memory_space<hbm>>
    %dma_wait3A_43 = arith.constant 0 : i32
    %dma_wait3A_44 = arith.constant 0 : i32
    %dma_wait3A_45 = tpu.memref_slice %arg7[%dma_wait3A, %dma_wait3A_43, %dma_wait3A_44] : memref<2x4x128xi32, #tpu.memory_space<vmem>> -> memref<1x4x128xi32, #tpu.memory_space<vmem>>
    %dma_wait3A_46 = tpu.memref_squeeze %dma_wait3A_45 : memref<1x4x128xi32, #tpu.memory_space<vmem>> -> memref<4x128xi32, #tpu.memory_space<vmem>>
    %dma_wait3A_47 = arith.constant 0 : i32
    %dma_wait3A_48 = tpu.memref_slice %arg3[%arg0, %mul3A_0, %dma_wait3A_47] : memref<2x6272x128xi32, #tpu.memory_space<hbm>> -> memref<1x4x128xi32, #tpu.memory_space<hbm>>
    %dma_wait3A_49 = tpu.memref_squeeze %dma_wait3A_48 : memref<1x4x128xi32, #tpu.memory_space<hbm>> -> memref<4x128xi32, #tpu.memory_space<hbm>>
    tpu.wait_dma2 semaphore(%arg11 : memref<!tpu.dma_semaphore, #tpu.memory_space<semaphore_mem>>) src(%dma_wait3A_49 : memref<4x128xi32, #tpu.memory_space<hbm>>) dst(%dma_wait3A_46 : memref<4x128xi32, #tpu.memory_space<vmem>>)
    %dma_wait3A_50 = arith.constant 0 : i32
    %dma_wait3A_51 = arith.constant 0 : i32
    %dma_wait3A_52 = arith.constant 0 : i32
    %dma_wait3A_53 = tpu.memref_slice %arg8[%dma_wait3A_50, %dma_wait3A_51, %dma_wait3A_52] : memref<2x4x128xi32, #tpu.memory_space<vmem>> -> memref<1x4x128xi32, #tpu.memory_space<vmem>>
    %dma_wait3A_54 = tpu.memref_squeeze %dma_wait3A_53 : memref<1x4x128xi32, #tpu.memory_space<vmem>> -> memref<4x128xi32, #tpu.memory_space<vmem>>
    %dma_wait3A_55 = arith.constant 0 : i32
    %dma_wait3A_56 = tpu.memref_slice %arg4[%mul3A_0, %dma_wait3A_55] : memref<6272x128xi32, #tpu.memory_space<hbm>> -> memref<4x128xi32, #tpu.memory_space<hbm>>
    %dma_wait3A_57 = arith.constant 0 : i32
    %dma_wait3A_58 = arith.constant 0 : i32
    %dma_wait3A_59 = tpu.memref_slice %arg8[%dma_wait3A_50, %dma_wait3A_57, %dma_wait3A_58] : memref<2x4x128xi32, #tpu.memory_space<vmem>> -> memref<1x4x128xi32, #tpu.memory_space<vmem>>
    %dma_wait3A_60 = tpu.memref_squeeze %dma_wait3A_59 : memref<1x4x128xi32, #tpu.memory_space<vmem>> -> memref<4x128xi32, #tpu.memory_space<vmem>>
    %dma_wait3A_61 = arith.constant 0 : i32
    %dma_wait3A_62 = tpu.memref_slice %arg4[%mul3A_0, %dma_wait3A_61] : memref<6272x128xi32, #tpu.memory_space<hbm>> -> memref<4x128xi32, #tpu.memory_space<hbm>>
    tpu.wait_dma2 semaphore(%arg11 : memref<!tpu.dma_semaphore, #tpu.memory_space<semaphore_mem>>) src(%dma_wait3A_62 : memref<4x128xi32, #tpu.memory_space<hbm>>) dst(%dma_wait3A_60 : memref<4x128xi32, #tpu.memory_space<vmem>>)
    %barrier3A_63 = arith.constant 0 : index
    tpu.barrier barrier_id(%barrier3A_63)
    "tpu.region"() ({
      %run_scoped3A = tpu.sem_alloc : memref<!tpu.dma_semaphore, #tpu.memory_space<semaphore_mem>>
      %dma_start3A_64 = arith.constant 0 : i32
      %dma_start3A_65 = tpu.memref_slice %arg6[%arg0, %mul3A_2, %dma_start3A_64] : memref<2x50048x32xf32, #tpu.memory_space<hbm>> -> memref<1x3128x32xf32, #tpu.memory_space<hbm>>
      %dma_start3A_66 = tpu.memref_squeeze %dma_start3A_65 : memref<1x3128x32xf32, #tpu.memory_space<hbm>> -> memref<3128x32xf32, #tpu.memory_space<hbm>>
      %dma_start3A_67 = arith.constant 0 : i32
      %dma_start3A_68 = tpu.memref_slice %arg10[%mul3A_2, %dma_start3A_67] : memref<50048x32xf32, #tpu.memory_space<vmem_shared>> -> memref<3128x32xf32, #tpu.memory_space<vmem_shared>>
      tpu.enqueue_dma source(%dma_start3A_68 : memref<3128x32xf32, #tpu.memory_space<vmem_shared>>) target(%dma_start3A_66 : memref<3128x32xf32, #tpu.memory_space<hbm>>) target_semaphore(%run_scoped3A : memref<!tpu.dma_semaphore, #tpu.memory_space<semaphore_mem>>)
      %dma_wait3A_69 = arith.constant 0 : i32
      %dma_wait3A_70 = tpu.memref_slice %arg6[%arg0, %mul3A_2, %dma_wait3A_69] : memref<2x50048x32xf32, #tpu.memory_space<hbm>> -> memref<1x3128x32xf32, #tpu.memory_space<hbm>>
      %dma_wait3A_71 = tpu.memref_squeeze %dma_wait3A_70 : memref<1x3128x32xf32, #tpu.memory_space<hbm>> -> memref<3128x32xf32, #tpu.memory_space<hbm>>
      %dma_wait3A_72 = arith.constant 0 : i32
      %dma_wait3A_73 = tpu.memref_slice %arg10[%mul3A_2, %dma_wait3A_72] : memref<50048x32xf32, #tpu.memory_space<vmem_shared>> -> memref<3128x32xf32, #tpu.memory_space<vmem_shared>>
      tpu.wait_dma2 semaphore(%run_scoped3A : memref<!tpu.dma_semaphore, #tpu.memory_space<semaphore_mem>>) src(%dma_wait3A_73 : memref<3128x32xf32, #tpu.memory_space<vmem_shared>>) dst(%dma_wait3A_71 : memref<3128x32xf32, #tpu.memory_space<hbm>>)
      tpu.yield
    }) : () -> ()
    return
  }
}

module attributes {stable_mosaic.version = 14 : i64} {
  func.func @_tc_body(%arg0: i32, %arg1: memref<2x3128x32xf32, #tpu.memory_space<vmem>>, %arg2: memref<2x3128x8xf32, #tpu.memory_space<vmem>>, %arg3: memref<3128x1xi32, #tpu.memory_space<vmem>>, %arg4: memref<64x64xf32, #tpu.memory_space<vmem>>, %arg5: memref<1x64xf32, #tpu.memory_space<vmem>>, %arg6: memref<64x64xf32, #tpu.memory_space<vmem>>, %arg7: memref<1x64xf32, #tpu.memory_space<vmem>>, %arg8: memref<64x64xf32, #tpu.memory_space<vmem>>, %arg9: memref<1x64xf32, #tpu.memory_space<vmem>>, %arg10: memref<128x64xf32, #tpu.memory_space<vmem>>, %arg11: memref<128x64xf32, #tpu.memory_space<vmem>>, %arg12: memref<128x1xf32, #tpu.memory_space<vmem>>) attributes {dimension_semantics = [#tpu.dimension_semantics<arbitrary>], iteration_bounds = array<i64: 16>, scalar_prefetch = 0 : i64, scratch_operands = 2 : i64, tpu.core_type = #tpu.core_type<tc>, window_params = [{transform_indices = @transform_0, window_bounds = array<i64: 2, 3128, 32>}, {transform_indices = @transform_1, window_bounds = array<i64: 2, 3128, 8>}, {transform_indices = @transform_2, window_bounds = array<i64: 3128, 1>}, {pipeline_mode = #tpu.pipeline_mode<synchronous>, transform_indices = @transform_3, window_bounds = array<i64: 64, 64>}, {pipeline_mode = #tpu.pipeline_mode<synchronous>, transform_indices = @transform_4, window_bounds = array<i64: 1, 64>}, {pipeline_mode = #tpu.pipeline_mode<synchronous>, transform_indices = @transform_5, window_bounds = array<i64: 64, 64>}, {pipeline_mode = #tpu.pipeline_mode<synchronous>, transform_indices = @transform_6, window_bounds = array<i64: 1, 64>}, {pipeline_mode = #tpu.pipeline_mode<synchronous>, transform_indices = @transform_7, window_bounds = array<i64: 64, 64>}, {pipeline_mode = #tpu.pipeline_mode<synchronous>, transform_indices = @transform_8, window_bounds = array<i64: 1, 64>}, {pipeline_mode = #tpu.pipeline_mode<synchronous>, transform_indices = @transform_9, window_bounds = array<i64: 128, 64>}]} {
    %get3A = arith.constant 0 : index
    %get3A_0 = arith.constant 0 : index
    %get3A_1 = arith.constant 0 : index
    %get3A_2 = vector.load %arg1[%get3A, %get3A_0, %get3A_1] : memref<2x3128x32xf32, #tpu.memory_space<vmem>>, vector<2x3128x32xf32>
    %get3A_3 = arith.constant 0 : index
    %get3A_4 = arith.constant 0 : index
    %get3A_5 = arith.constant 0 : index
    %get3A_6 = vector.load %arg2[%get3A_3, %get3A_4, %get3A_5] : memref<2x3128x8xf32, #tpu.memory_space<vmem>>, vector<2x3128x8xf32>
    %slice3A = vector.extract_strided_slice %get3A_6 {offsets = [0, 0, 0], sizes = [1, 3128, 1], strides = [1, 1, 1]} : vector<2x3128x8xf32> to vector<1x3128x1xf32>
    %squeeze3A = vector.shape_cast %slice3A : vector<1x3128x1xf32> to vector<3128x1xf32>
    %slice3A_7 = vector.extract_strided_slice %get3A_6 {offsets = [1, 0, 0], sizes = [1, 3128, 1], strides = [1, 1, 1]} : vector<2x3128x8xf32> to vector<1x3128x1xf32>
    %squeeze3A_8 = vector.shape_cast %slice3A_7 : vector<1x3128x1xf32> to vector<3128x1xf32>
    %add3A = arith.addf %squeeze3A, %squeeze3A_8 : vector<3128x1xf32>
    %max3A = arith.constant 1.000000e+00 : f32
    %max3A_9 = vector.broadcast %max3A : f32 to vector<3128x1xf32>
    %max3A_10 = arith.maximumf %add3A, %max3A_9 : vector<3128x1xf32>
    %div3A = arith.constant 1.000000e+00 : f32
    %div3A_11 = vector.broadcast %div3A : f32 to vector<3128x1xf32>
    %div3A_12 = arith.divf %div3A_11, %max3A_10 : vector<3128x1xf32>
    %slice3A_13 = vector.extract_strided_slice %get3A_2 {offsets = [0, 0, 0], sizes = [1, 3128, 32], strides = [1, 1, 1]} : vector<2x3128x32xf32> to vector<1x3128x32xf32>
    %squeeze3A_14 = vector.shape_cast %slice3A_13 : vector<1x3128x32xf32> to vector<3128x32xf32>
    %mul3A = vector.broadcast %div3A_12 : vector<3128x1xf32> to vector<3128x32xf32>
    %mul3A_15 = arith.mulf %squeeze3A_14, %mul3A : vector<3128x32xf32>
    %slice3A_16 = vector.extract_strided_slice %get3A_2 {offsets = [1, 0, 0], sizes = [1, 3128, 32], strides = [1, 1, 1]} : vector<2x3128x32xf32> to vector<1x3128x32xf32>
    %squeeze3A_17 = vector.shape_cast %slice3A_16 : vector<1x3128x32xf32> to vector<3128x32xf32>
    %mul3A_18 = vector.broadcast %div3A_12 : vector<3128x1xf32> to vector<3128x32xf32>
    %mul3A_19 = arith.mulf %squeeze3A_17, %mul3A_18 : vector<3128x32xf32>
    %get3A_20 = arith.constant 0 : index
    %get3A_21 = arith.constant 0 : index
    %get3A_22 = vector.load %arg4[%get3A_20, %get3A_21] : memref<64x64xf32, #tpu.memory_space<vmem>>, vector<32x64xf32>
    %dot_general3A = arith.constant dense<0.000000e+00> : vector<3128x64xf32>
    %dot_general3A_23 = tpu.matmul %mul3A_15, %get3A_22, %dot_general3A {dimension_numbers = #tpu.dot_dimension_numbers<[1], [0], [0], [1], [0, 0, 1, 1], [], []>, transpose_lhs_hint = false} : vector<3128x32xf32>, vector<32x64xf32>, vector<3128x64xf32> -> vector<3128x64xf32>
    %get3A_24 = arith.constant 32 : index
    %get3A_25 = arith.constant 0 : index
    %get3A_26 = vector.load %arg4[%get3A_24, %get3A_25] : memref<64x64xf32, #tpu.memory_space<vmem>>, vector<32x64xf32>
    %dot_general3A_27 = arith.constant dense<0.000000e+00> : vector<3128x64xf32>
    %dot_general3A_28 = tpu.matmul %mul3A_19, %get3A_26, %dot_general3A_27 {dimension_numbers = #tpu.dot_dimension_numbers<[1], [0], [0], [1], [0, 0, 1, 1], [], []>, transpose_lhs_hint = false} : vector<3128x32xf32>, vector<32x64xf32>, vector<3128x64xf32> -> vector<3128x64xf32>
    %add3A_29 = arith.addf %dot_general3A_23, %dot_general3A_28 : vector<3128x64xf32>
    %get3A_30 = arith.constant 0 : index
    %get3A_31 = arith.constant 0 : index
    %get3A_32 = vector.load %arg5[%get3A_30, %get3A_31] : memref<1x64xf32, #tpu.memory_space<vmem>>, vector<1x64xf32>
    %add3A_33 = vector.broadcast %get3A_32 : vector<1x64xf32> to vector<3128x64xf32>
    %add3A_34 = arith.addf %add3A_29, %add3A_33 : vector<3128x64xf32>
    %max3A_35 = arith.constant 0.000000e+00 : f32
    %max3A_36 = vector.broadcast %max3A_35 : f32 to vector<3128x64xf32>
    %max3A_37 = arith.maximumf %add3A_34, %max3A_36 : vector<3128x64xf32>
    %get3A_38 = arith.constant 0 : index
    %get3A_39 = arith.constant 0 : index
    %get3A_40 = vector.load %arg3[%get3A_38, %get3A_39] : memref<3128x1xi32, #tpu.memory_space<vmem>>, vector<3128x1xi32>
    %iota3A = tpu.iota {dimensions = array<i32: 1>} : vector<3128x128xi32>
    %eq3A = vector.broadcast %get3A_40 : vector<3128x1xi32> to vector<3128x128xi32>
    %eq3A_41 = arith.cmpi eq, %eq3A, %iota3A : vector<3128x128xi32>
    %convert_element_type3A = arith.extui %eq3A_41 : vector<3128x128xi1> to vector<3128x128xi32>
    %convert_element_type3A_42 = arith.sitofp %convert_element_type3A : vector<3128x128xi32> to vector<3128x128xf32>
    %dot_general3A_43 = arith.constant dense<0.000000e+00> : vector<128x64xf32>
    %dot_general3A_44 = tpu.matmul %convert_element_type3A_42, %max3A_37, %dot_general3A_43 {dimension_numbers = #tpu.dot_dimension_numbers<[0], [0], [1], [1], [0, 1, 1, 1], [], []>, transpose_lhs_hint = false} : vector<3128x128xf32>, vector<3128x64xf32>, vector<128x64xf32> -> vector<128x64xf32>
    %broadcast_in_dim3A = arith.constant 1.000000e+00 : f32
    %broadcast_in_dim3A_45 = vector.broadcast %broadcast_in_dim3A : f32 to vector<3128x1xf32>
    %dot_general3A_46 = arith.constant dense<0.000000e+00> : vector<128x1xf32>
    %dot_general3A_47 = tpu.matmul %convert_element_type3A_42, %broadcast_in_dim3A_45, %dot_general3A_46 {dimension_numbers = #tpu.dot_dimension_numbers<[0], [0], [1], [1], [0, 1, 1, 1], [], []>, transpose_lhs_hint = false} : vector<3128x128xf32>, vector<3128x1xf32>, vector<128x1xf32> -> vector<128x1xf32>
    %eq3A_48 = arith.constant 0 : i32
    %eq3A_49 = arith.cmpi eq, %arg0, %eq3A_48 : i32
    %convert_element_type3A_50 = arith.extui %eq3A_49 : i1 to i32
    %cond3A = arith.constant 0 : i32
    %cond3A_51 = arith.cmpi ne, %convert_element_type3A_50, %cond3A : i32
    scf.if %cond3A_51 {
      %broadcast_in_dim3A_70 = arith.constant 0.000000e+00 : f32
      %broadcast_in_dim3A_71 = vector.broadcast %broadcast_in_dim3A_70 : f32 to vector<128x64xf32>
      %swap3A_72 = arith.constant 0 : index
      %swap3A_73 = arith.constant 0 : index
      %swap3A_74 = vector.load %arg11[%swap3A_72, %swap3A_73] : memref<128x64xf32, #tpu.memory_space<vmem>>, vector<128x64xf32>
      tpu.vector_store %arg11[%swap3A_72, %swap3A_73], %broadcast_in_dim3A_71 {strides = array<i32>} : memref<128x64xf32, #tpu.memory_space<vmem>>, vector<128x64xf32>,
      %broadcast_in_dim3A_75 = arith.constant 0.000000e+00 : f32
      %broadcast_in_dim3A_76 = vector.broadcast %broadcast_in_dim3A_75 : f32 to vector<128x1xf32>
      %swap3A_77 = arith.constant 0 : index
      %swap3A_78 = arith.constant 0 : index
      %swap3A_79 = vector.load %arg12[%swap3A_77, %swap3A_78] : memref<128x1xf32, #tpu.memory_space<vmem>>, vector<128x1xf32>
      tpu.vector_store %arg12[%swap3A_77, %swap3A_78], %broadcast_in_dim3A_76 {strides = array<i32>} : memref<128x1xf32, #tpu.memory_space<vmem>>, vector<128x1xf32>,
    } else {
    }
    %get3A_52 = arith.constant 0 : index
    %get3A_53 = arith.constant 0 : index
    %get3A_54 = vector.load %arg11[%get3A_52, %get3A_53] : memref<128x64xf32, #tpu.memory_space<vmem>>, vector<128x64xf32>
    %add3A_55 = arith.addf %get3A_54, %dot_general3A_44 : vector<128x64xf32>
    %swap3A = arith.constant 0 : index
    %swap3A_56 = arith.constant 0 : index
    %swap3A_57 = vector.load %arg11[%swap3A, %swap3A_56] : memref<128x64xf32, #tpu.memory_space<vmem>>, vector<128x64xf32>
    tpu.vector_store %arg11[%swap3A, %swap3A_56], %add3A_55 {strides = array<i32>} : memref<128x64xf32, #tpu.memory_space<vmem>>, vector<128x64xf32>,
    %get3A_58 = arith.constant 0 : index
    %get3A_59 = arith.constant 0 : index
    %get3A_60 = vector.load %arg12[%get3A_58, %get3A_59] : memref<128x1xf32, #tpu.memory_space<vmem>>, vector<128x1xf32>
    %add3A_61 = arith.addf %get3A_60, %dot_general3A_47 : vector<128x1xf32>
    %swap3A_62 = arith.constant 0 : index
    %swap3A_63 = arith.constant 0 : index
    %swap3A_64 = vector.load %arg12[%swap3A_62, %swap3A_63] : memref<128x1xf32, #tpu.memory_space<vmem>>, vector<128x1xf32>
    tpu.vector_store %arg12[%swap3A_62, %swap3A_63], %add3A_61 {strides = array<i32>} : memref<128x1xf32, #tpu.memory_space<vmem>>, vector<128x1xf32>,
    %eq3A_65 = arith.constant 15 : i32
    %eq3A_66 = arith.cmpi eq, %arg0, %eq3A_65 : i32
    %convert_element_type3A_67 = arith.extui %eq3A_66 : i1 to i32
    %cond3A_68 = arith.constant 0 : i32
    %cond3A_69 = arith.cmpi ne, %convert_element_type3A_67, %cond3A_68 : i32
    scf.if %cond3A_69 {
      %get3A_70 = arith.constant 0 : index
      %get3A_71 = arith.constant 0 : index
      %get3A_72 = vector.load %arg11[%get3A_70, %get3A_71] : memref<128x64xf32, #tpu.memory_space<vmem>>, vector<128x64xf32>
      %get3A_73 = arith.constant 0 : index
      %get3A_74 = arith.constant 0 : index
      %get3A_75 = vector.load %arg12[%get3A_73, %get3A_74] : memref<128x1xf32, #tpu.memory_space<vmem>>, vector<128x1xf32>
      %max3A_76 = arith.constant 1.000000e+00 : f32
      %max3A_77 = vector.broadcast %max3A_76 : f32 to vector<128x1xf32>
      %max3A_78 = arith.maximumf %get3A_75, %max3A_77 : vector<128x1xf32>
      %div3A_79 = vector.broadcast %max3A_78 : vector<128x1xf32> to vector<128x64xf32>
      %div3A_80 = arith.divf %get3A_72, %div3A_79 : vector<128x64xf32>
      %get3A_81 = arith.constant 0 : index
      %get3A_82 = arith.constant 0 : index
      %get3A_83 = vector.load %arg6[%get3A_81, %get3A_82] : memref<64x64xf32, #tpu.memory_space<vmem>>, vector<64x64xf32>
      %dot_general3A_84 = arith.constant dense<0.000000e+00> : vector<128x64xf32>
      %dot_general3A_85 = tpu.matmul %div3A_80, %get3A_83, %dot_general3A_84 {dimension_numbers = #tpu.dot_dimension_numbers<[1], [0], [0], [1], [0, 0, 1, 1], [], []>, transpose_lhs_hint = false} : vector<128x64xf32>, vector<64x64xf32>, vector<128x64xf32> -> vector<128x64xf32>
      %get3A_86 = arith.constant 0 : index
      %get3A_87 = arith.constant 0 : index
      %get3A_88 = vector.load %arg7[%get3A_86, %get3A_87] : memref<1x64xf32, #tpu.memory_space<vmem>>, vector<1x64xf32>
      %add3A_89 = vector.broadcast %get3A_88 : vector<1x64xf32> to vector<128x64xf32>
      %add3A_90 = arith.addf %dot_general3A_85, %add3A_89 : vector<128x64xf32>
      %max3A_91 = arith.constant 0.000000e+00 : f32
      %max3A_92 = vector.broadcast %max3A_91 : f32 to vector<128x64xf32>
      %max3A_93 = arith.maximumf %add3A_90, %max3A_92 : vector<128x64xf32>
      %get3A_94 = arith.constant 0 : index
      %get3A_95 = arith.constant 0 : index
      %get3A_96 = vector.load %arg8[%get3A_94, %get3A_95] : memref<64x64xf32, #tpu.memory_space<vmem>>, vector<64x64xf32>
      %dot_general3A_97 = arith.constant dense<0.000000e+00> : vector<128x64xf32>
      %dot_general3A_98 = tpu.matmul %max3A_93, %get3A_96, %dot_general3A_97 {dimension_numbers = #tpu.dot_dimension_numbers<[1], [0], [0], [1], [0, 0, 1, 1], [], []>, transpose_lhs_hint = false} : vector<128x64xf32>, vector<64x64xf32>, vector<128x64xf32> -> vector<128x64xf32>
      %get3A_99 = arith.constant 0 : index
      %get3A_100 = arith.constant 0 : index
      %get3A_101 = vector.load %arg9[%get3A_99, %get3A_100] : memref<1x64xf32, #tpu.memory_space<vmem>>, vector<1x64xf32>
      %add3A_102 = vector.broadcast %get3A_101 : vector<1x64xf32> to vector<128x64xf32>
      %add3A_103 = arith.addf %dot_general3A_98, %add3A_102 : vector<128x64xf32>
      %swap3A_104 = arith.constant 0 : index
      %swap3A_105 = arith.constant 0 : index
      %swap3A_106 = vector.load %arg10[%swap3A_104, %swap3A_105] : memref<128x64xf32, #tpu.memory_space<vmem>>, vector<128x64xf32>
      tpu.vector_store %arg10[%swap3A_104, %swap3A_105], %add3A_103 {strides = array<i32>} : memref<128x64xf32, #tpu.memory_space<vmem>>, vector<128x64xf32>,
    } else {
    }
    return
  }
  func.func @transform_0(%arg0: i32) -> (i32, i32, i32) {
    %c0_i32 = arith.constant 0 : i32
    %c0_i32_0 = arith.constant 0 : i32
    %c0_i32_1 = arith.constant 0 : i32
    return %c0_i32, %arg0, %c0_i32_0 : i32, i32, i32
  }
  func.func @transform_1(%arg0: i32) -> (i32, i32, i32) {
    %c0_i32 = arith.constant 0 : i32
    %c0_i32_0 = arith.constant 0 : i32
    %c0_i32_1 = arith.constant 0 : i32
    return %c0_i32, %arg0, %c0_i32_0 : i32, i32, i32
  }
  func.func @transform_2(%arg0: i32) -> (i32, i32) {
    %c0_i32 = arith.constant 0 : i32
    %c0_i32_0 = arith.constant 0 : i32
    return %arg0, %c0_i32 : i32, i32
  }
  func.func @transform_3(%arg0: i32) -> (i32, i32) {
    %c0_i32 = arith.constant 0 : i32
    %c0_i32_0 = arith.constant 0 : i32
    %c0_i32_1 = arith.constant 0 : i32
    return %c0_i32, %c0_i32_0 : i32, i32
  }
  func.func @transform_4(%arg0: i32) -> (i32, i32) {
    %c0_i32 = arith.constant 0 : i32
    %c0_i32_0 = arith.constant 0 : i32
    %c0_i32_1 = arith.constant 0 : i32
    return %c0_i32, %c0_i32_0 : i32, i32
  }
  func.func @transform_5(%arg0: i32) -> (i32, i32) {
    %c0_i32 = arith.constant 0 : i32
    %c0_i32_0 = arith.constant 0 : i32
    %c0_i32_1 = arith.constant 0 : i32
    return %c0_i32, %c0_i32_0 : i32, i32
  }
  func.func @transform_6(%arg0: i32) -> (i32, i32) {
    %c0_i32 = arith.constant 0 : i32
    %c0_i32_0 = arith.constant 0 : i32
    %c0_i32_1 = arith.constant 0 : i32
    return %c0_i32, %c0_i32_0 : i32, i32
  }
  func.func @transform_7(%arg0: i32) -> (i32, i32) {
    %c0_i32 = arith.constant 0 : i32
    %c0_i32_0 = arith.constant 0 : i32
    %c0_i32_1 = arith.constant 0 : i32
    return %c0_i32, %c0_i32_0 : i32, i32
  }
  func.func @transform_8(%arg0: i32) -> (i32, i32) {
    %c0_i32 = arith.constant 0 : i32
    %c0_i32_0 = arith.constant 0 : i32
    %c0_i32_1 = arith.constant 0 : i32
    return %c0_i32, %c0_i32_0 : i32, i32
  }
  func.func @transform_9(%arg0: i32) -> (i32, i32) {
    %c0_i32 = arith.constant 0 : i32
    %c0_i32_0 = arith.constant 0 : i32
    %c0_i32_1 = arith.constant 0 : i32
    return %c0_i32, %c0_i32_0 : i32, i32
  }
}

</mosaic_0001>

<sc_bundles>
// kernel: kernel.5.cloned.1.call-start
scs
__scs_entry_jumppad:
0x0: {  	(pc) =	sbr.rel $0x88, $3  }
0x1: {  	(tag) =	ssettag $0x0;
	lr =	simm.s32 $0x1  }
0x2: {  	[smem:$0x3F98] =	sst lr;
	_ =	strace $0xD0000000  }
0x3: {  	_ = 	snop  }
0x4: {  	_ = 	snop  }
0x5: {  	_ = 	snop  }
0x6: {  	_ = 	snop  }
0x7: {  	_ = 	snop  }
__scs_overlays_trampoline_lowered:
0x8: {  	[smem:$0x3FA7] =	sst s0  }
0x9: {  	[smem:$0x3FA8] =	sst s1  }
0xa: {  	[smem:$0x3FA9] =	sst s2  }
0xb: {  	[smem:$0x3FAA] =	sst s3  }
0xc: {  	[smem:$0x3FAB] =	sst s4  }
0xd: {  	[smem:$0x3FAC] =	sst s5  }
0xe: {  	[smem:$0x3FAD] =	sst s6  }
0xf: {  	[smem:$0x3FAE] =	sst s7  }
0x10: {  	[smem:$0x3FAF] =	sst s8  }
0x11: {  	[smem:$0x3FB0] =	sst s9;
	s0 =	simm.s32 @!p0 $0x0  }
0x12: {  	s1 =	sld [smem:$0x3F96];
	s0 =	simm.s32 @p0 $0x1  }
0x13: {  	[smem:$0x3FB1] =	sst s0;
	s0 =	simm.s32 @!p1 $0x0  }
0x14: {  	s2 =	sld [smem:$0x3F95];
	s0 =	simm.s32 @p1 $0x1  }
0x15: {  	[smem:$0x3FB2] =	sst s0;
	s0 =	simm.s32 @!p2 $0x0  }
0x16: {  	s3 =	sld [smem:$0x3FDB];
	s0 =	simm.s32 @p2 $0x1  }
0x17: {  	s4 =	simm.s32 $0x1BF5;
	[smem:$0x3FB4] =	sst s0  }
0x18: {  	s0 =	sld [smem:$0x3F97];
	_ =	swait.ge [sflag:s4], $0x0  }
0x19: {  	s7 =	sld [smem:$0x3F98]  }
0x1a: {  	s8 =	sadd.s32 $0xFFFFE003, lr  }
0x1b: {  	s9 =	sadd.s32 $0xFFFFFEF7, lr;
	s5 =	simm.s32 $0xFFFFFFFF;
	p2 =	slt.u32 s8, $0xFFFFF086  }
0x1c: {  	p1 =	slt.u32 s9, $0xF7A;
	s5 =	simm.s32 @!p2 $0x0  }
0x1d: {  	s5 =	simm.s32 @p1 $0x1;
	p0 =	seq.s32 s7, s2  }
0x1e: {  	s7 =	smul.u32 @!p0 $0xF7A, s2;
	p2 =	seq.s32 @!p0 s5, $0x0  }
0x1f: {  	s9 =	smul.u32 $0xF7A, s1;
	s8 =	simm.s32 @!p0 $0x1BF5;
	p2 =	por !p2, p0  }
0x20: {  	[sflag:s8] =	ssyncset.s32 @!p0 $0xFFFFF086;
	s6 =	sadd.s32 @!p0 s3, s7;
	s7 =	simm.s32 @!p0 $0x108  }
0x21: {  	s3 =	sadd.s32 s3, s9;
	s6 =	sadd.s32 @!p0 $0x88, s6;
	s7 =	simm.s32 @p2 $0x1082  }
0x22: {  	[simem:s7], [sflag:s8] =	dma.local @!p0 [hbm:s6], $0xF7A  }
0x23: {  	s9 =	sor.u32 $0xD0000000, s2;
	s6 =	simm.s32 $0x108;
	_ =	swait.ge @!p0 [sflag:s8], $0x0  }
0x24: {  	s3 =	sadd.s32 $0x88, s3;
	s6 =	simm.s32 @!p1 $0x1082;
	[sflag:s4] =	ssyncset.s32 $0xFFFFF086  }
0x25: {  	[simem:s6], [sflag:s4] =	dma.local [hbm:s3], $0xF7A  }
0x26: {  	[smem:$0x3F98] =	sst s1;
	(tag) =	ssettag s2;
	_ =	strace s9  }
0x27: {  	s1 =	sld [smem:$0x3FA8]  }
0x28: {  	s2 =	sld [smem:$0x3FA9]  }
0x29: {  	s4 =	sld [smem:$0x3FAB]  }
0x2a: {  	p0 =	seq.s32 s5, $0x0;
	s5 =	sld [smem:$0x3FAC]  }
0x2b: {  	s6 =	sld [smem:$0x3FAD]  }
0x2c: {  	s7 =	sld [smem:$0x3FAE]  }
0x2d: {  	s3 =	simm.s32 $0x108;
	s8 =	sld [smem:$0x3FAF]  }
0x2e: {  	s3 =	simm.s32 @!p0 $0x1082;
	s9 =	sld [smem:$0x3FB0]  }
0x2f: {  	lr =	sadd.s32 s0, s3;
	s0 =	sld [smem:$0x3FA7]  }
0x30: {  	s3 =	sld [smem:$0x3FAA]  }
0x31: {  	[smem:$0x3FB3] =	sst s10  }
0x32: {  	s10 =	sld [smem:$0x3FB1];
	_ =	sdelay $0x3  }
0x33: {  	p0 =	seq.s32 s10, $0x1;
	s10 =	sld [smem:$0x3FB3];
	_ =	sdelay $0x3  }
0x34: {  	[smem:$0x3FB3] =	sst s10  }
0x35: {  	s10 =	sld [smem:$0x3FB2];
	_ =	sdelay $0x3  }
0x36: {  	p1 =	seq.s32 s10, $0x1;
	s10 =	sld [smem:$0x3FB3];
	_ =	sdelay $0x3  }
0x37: {  	[smem:$0x3FB3] =	sst s10  }
0x38: {  	s10 =	sld [smem:$0x3FB4]  }
0x39: {  	_ = 	snop;
	(pc) =	sbr.ind lr, $3  }
0x3a: {  	_ = 	snop  }
0x3b: {  	_ = 	snop  }
0x3c: {  	p2 =	seq.s32 s10, $0x1;
	s10 =	sld [smem:$0x3FB3]  }
0x3d: {  	_ =	shalt  }
0x3e: {  	_ =	shalt  }
0x3f: {  	_ =	shalt  }
0x40: {  	_ =	shalt  }
0x41: {  	_ =	shalt  }
0x42: {  	_ =	shalt  }
0x43: {  	_ =	shalt  }
0x44: {  	_ =	shalt  }
0x45: {  	_ =	shalt  }
0x46: {  	_ =	shalt  }
0x47: {  	_ =	shalt  }
0x48: {  	_ =	shalt  }
0x49: {  	_ =	shalt  }
0x4a: {  	_ =	shalt  }
0x4b: {  	_ =	shalt  }
0x4c: {  	_ =	shalt  }
0x4d: {  	_ =	shalt  }
0x4e: {  	_ =	shalt  }
0x4f: {  	_ =	shalt  }
0x50: {  	_ =	shalt  }
0x51: {  	_ =	shalt  }
0x52: {  	_ =	shalt  }
0x53: {  	_ =	shalt  }
0x54: {  	_ =	shalt  }
0x55: {  	_ =	shalt  }
0x56: {  	_ =	shalt  }
0x57: {  	_ =	shalt  }
0x58: {  	_ =	shalt  }
0x59: {  	_ =	shalt  }
0x5a: {  	_ =	shalt  }
0x5b: {  	_ =	shalt  }
0x5c: {  	_ =	shalt  }
0x5d: {  	_ =	shalt  }
0x5e: {  	_ =	shalt  }
0x5f: {  	_ =	shalt  }
0x60: {  	_ =	shalt  }
0x61: {  	_ =	shalt  }
0x62: {  	_ =	shalt  }
0x63: {  	_ =	shalt  }
0x64: {  	_ =	shalt  }
0x65: {  	_ =	shalt  }
0x66: {  	_ =	shalt  }
0x67: {  	_ =	shalt  }
0x68: {  	_ =	shalt  }
0x69: {  	_ =	shalt  }
0x6a: {  	_ =	shalt  }
0x6b: {  	_ =	shalt  }
0x6c: {  	_ =	shalt  }
0x6d: {  	_ =	shalt  }
0x6e: {  	_ =	shalt  }
0x6f: {  	_ =	shalt  }
0x70: {  	_ =	shalt  }
0x71: {  	_ =	shalt  }
0x72: {  	_ =	shalt  }
0x73: {  	_ =	shalt  }
0x74: {  	_ =	shalt  }
0x75: {  	_ =	shalt  }
0x76: {  	_ =	shalt  }
0x77: {  	_ =	shalt  }
0x78: {  	_ =	shalt  }
0x79: {  	_ =	shalt  }
0x7a: {  	_ =	shalt  }
0x7b: {  	_ =	shalt  }
0x7c: {  	_ =	shalt  }
0x7d: {  	_ =	shalt  }
0x7e: {  	_ =	shalt  }
0x7f: {  	_ =	shalt  }
0x80: {  	_ =	shalt  }
0x81: {  	_ =	shalt  }
0x82: {  	_ =	shalt  }
0x83: {  	_ =	shalt  }
0x84: {  	_ =	shalt  }
0x85: {  	_ =	shalt  }
0x86: {  	_ =	shalt  }
0x87: {  	_ =	shalt  }
.Lfunc_end0:
.L_simem_size_0:
called_computation_lowered:
.L_overlay_start_0:
0x88: {  	s2 =	sld [smem:$0x3FD9]  }
0x89: {  	s3 =	sld [smem:$0x3FFE];
	_ =	sdelay $0x1  }
0x8a: {  	s1 =	srdreg.scid  }
0x8b: {  	s0 =	sand.u32 $0x1, s1  }
0x8c: {  	s16 =	sshll.u32 s0, $0xA;
	s2 =	sadd.s32 s3, s2  }
0x8d: {  	s2 =	sadd.s32 s2, s16  }
0x8e: {  	[smem:$0x3FBF] =	sst s2  }
0x8f: {  	_ = 	snop  }
0x90: {  	(tm) =	ssettm $0x1  }
0x91: {  	s17 =	sld [smem:$0x3FFB];
	_ =	sdelay $0x3  }
0x92: {  	_ =	strace s17  }
0x93: {  	s2 =	sld [smem:$0x3FFC];
	_ =	sdelay $0x3  }
0x94: {  	_ =	strace s2  }
0x95: {  	s2 =	sld [smem:$0x3FFD];
	_ =	sdelay $0x3  }
0x96: {  	_ =	strace s2  }
0x97: {  	_ =	strace $0x8FFFFFFF  }
0x98: {  	s18 =	sld [smem:$0x3FDB];
	_ =	sdelay $0x1  }
0x99: {  	s19 =	simm.s32 $_scs_section_size  }
0x9a: {  	s4 =	simm.s32 $_size__tile_overlayer_lowered;
	s5 =	simm.s32 $_tile_overlayer_lowered  }
0x9b: {  	s22 =	simm.s32 $0x1BFF;
	s21 =	sshll.u32 s5, $0x1;
	s2 =	sadd.s32 s19, s18  }
0x9c: {  	s6 =	simm.s32 $0x0;
	s20 =	sshll.u32 s4, $0x1;
	s4 =	sadd.s32 s21, s2  }
0x9d: {  	[timem:s6], [sflag:s22] =	dma.local [hbm:s4], s20  }
0x9e: {  	_ =	swait.ge [sflag:s22], s20  }
0x9f: {  	s3 =	ssub.s32 $0x0, s20;
	[sflag:s22] =	ssyncset.done $0x0  }
0xa0: {  	[sflag:s22] =	ssyncadd.s32 s3;
	_ =	sdelay $0x1  }
0xa1: {  	s23 =	simm.s32 $0x1B8B  }
0xa2: {  	_ =	swait.ge [sflag:s23], $0x1  }
0xa3: {  	[sflag:s23] =	ssyncset.done $0x0  }
0xa4: {  	s25 =	simm.s32 $0x1B8E;
	s24 =	sld [smem:$0x3FFE];
	[sflag:s23] =	ssyncadd.s32 $0xFFFFFFFF  }
0xa5: {  	s26 =	simm.s32 $execute0_lowered;
	[smem:$0x3FD2] =	sst s25  }
0xa6: {  	s4 =	sshll.u32 s26, $0x1;
	_ =	strace $0x80000046;
	[dreg:$0x1] =	wrdreg $0xFFFFFFFF  }
0xa7: {  	s28 =	simm.s32 $_size_execute0_lowered;
	s2 =	sadd.s32 s2, s4;
	[dreg:$0x0] =	wrdreg $0x0  }
0xa8: {  	s4 =	sshll.u32 s28, $0x1;
	[dreg:$0x2] =	wrdreg s2  }
0xa9: {  	[dreg:$0x3] =	wrdreg s4  }
0xaa: {  	[dreg:$0x4] =	wrdreg $0xC0  }
0xab: {  	_ =	task [dreg:s6], $0x5FFFF  }
0xac: {  	[dreg:$0x1] =	wrdreg $0xFFFFFFFF  }
0xad: {  	[dreg:$0x0] =	wrdreg $0x60  }
0xae: {  	[dreg:$0x2] =	wrdreg s24  }
0xaf: {  	[dreg:$0x3] =	wrdreg $0x48000  }
0xb0: {  	[dreg:$0x4] =	wrdreg $0x9  }
0xb1: {  	_ =	task.clear_ibuf [dreg:s6], $0x5FFFF;
	_ =	strace $0x90000046  }
0xb2: {  	s29 =	simm.s32 $0x9;
	_ =	strace $0x80000048  }
0xb3: {  	_ =	swait.ge [sflag:s29], $0x1  }
0xb4: {  	[sflag:s29] =	ssyncadd.s32 $0xFFFFFFFF  }
0xb5: {  	_ =	strace $0x90000048  }
0xb6: {  	_ =	sfence  }
0xb7: {  	s30 =	sld [smem:$0x0];
	_ =	sdelay $0x2  }
0xb8: {  	s31 =	sshll.u32 s1, $0xD;
	s1 =	sshrl.u32 s1, $0x2  }
0xb9: {  	s3 =	sand.u32 $0x4000, s31;
	s1 =	sadd.s32 s1, s30  }
0xba: {  	s0 =	sor.u32 s3, s0;
	s1 =	sshll.u32 s1, $0x11  }
0xbb: {  	s0 =	sor.u32 s1, s0  }
0xbc: {  	s0 =	sadd.s32 $0x8F2B, s0  }
0xbd: {  	[sflag:s0] =	ssyncadd.remote.s32 $0x1  }
0xbe: {  	_ =	sfence.sel $0xFFFF  }
0xbf: {  	[dreg:$0x0] =	wrdreg $0xFFFFFFFF;
	(pc) =	sbr.abs _section_cstart, $3  }
0xc0: {  	[dreg:$0x1] =	wrdreg $0xFFFFFFFF  }
0xc1: {  	_ =	task.clear_ibuf [dreg:s6], $0x2FFFF;
	_ =	strace $0x9FFFFFFF  }
0xc2: {  	(tm) =	ssettm $0x7FFFFFFF  }
0xc3: {  	_ =	shalt  }
tec
execute0_lowered:
.L_overlay_start_1:
0x0: {  	(tag) =	ssettag $0x1  }
0x1: {  	s0 =	rddreg [dreg:$0x0]  }
0x2: {  	s2 =	rddreg [dreg:$0x1];
	s3 =	simm.s32 $0x0;
	s13 =	stileid.u32  }
0x3: {  	s1 =	srdreg.scid;
	s15 =	simm.s32 $0x100;
	s17 =	simm.s32 $0x180  }
0x4: {  	s18 =	simm.s32 $0x480;
	s19 =	simm.s32 $0x500;
	s20 =	simm.s32 $0x580  }
0x5: {  	s21 =	simm.s32 $0x280;
	s28 =	simm.s32 $0x3;
	s29 =	simm.s32 $0x400  }
0x6: {  	s30 =	simm.s32 $0x2;
	s31 =	simm.s32 $0x4;
	[smem:$0x7FF] =	sst s3  }
0x7: {  	s9 =	smul.u32 $0x18700, s13;
	_ =	strace $0x80000047;
	[dreg:$0x3] =	wrdreg s15  }
0x8: {  	s1 =	sand.u32 $0x1, s1;
	s4 =	sadd.s32 $0x19800, s0;
	[dreg:$0x4] =	wrdreg s17  }
0x9: {  	s5 =	sadd.s32 $0x7B400, s0;
	s6 =	sadd.s32 $0x1000, s0;
	[dreg:$0x5] =	wrdreg s18  }
0xa: {  	s25 =	sshll.u32 s13, $0x6;
	s14 =	smul.u32 $0x1880, s13;
	[dreg:$0x6] =	wrdreg s19  }
0xb: {  	s7 =	smul.u32 $0x187000, s1;
	s11 =	ssub.s32 $0x2, s1;
	[dreg:$0x7] =	wrdreg s20  }
0xc: {  	s18 =	simm.s32 $0x5;
	s19 =	simm.s32 $0x200;
	[dreg:$0x8] =	wrdreg s21  }
0xd: {  	s20 =	simm.s32 $0x600;
	s21 =	simm.s32 $0x1;
	s10 =	sshrl.u32 s9, $0x3  }
0xe: {  	s12 =	sshrl.u32 s11, $0x1;
	s14 =	sadd.s32 s14, s6;
	s8 =	sadd.s32 s9, s7  }
0xf: {  	s7 =	smul.u32 $0xC4000, s1;
	s10 =	sadd.s32 s10, s0;
	s23 =	ssub.s32 s11, s12  }
0x10: {  	s9 =	sadd.s32 s9, s2;
	s22 =	sshrl.u32 s8, $0x3;
	s8 =	smul.u32 $0xC400, s13  }
0x11: {  	s10 =	sadd.s32 $0xAC400, s10;
	s1 =	smax.u32 s23, $0x1;
	s17 =	sshrl.u32 s9, $0x3  }
0x12: {  	s23 =	simm.s32 $0x380;
	s0 =	sadd.s32 s22, s0;
	[dreg:$0xe] =	wrdreg s10  }
0x13: {  	s10 =	sor.u32 $0x1C05, s25;
	[dreg:$0x12] =	wrdreg s1;
	s22 =	simm.s32 $0x300  }
0x14: {  	[dreg:$0xa] =	wrdreg s23;
	s25 =	simm.s32 $0x700;
	s23 =	simm.s32 $0x800  }
0x15: {  	s24 =	sadd.s32 s8, s7;
	s13 =	sshrl.u32 s8, $0x3;
	[dreg:$0x9] =	wrdreg s22  }
0x16: {  	s0 =	sadd.s32 $0xDD200, s0;
	s22 =	simm.s32 $0x80;
	[dreg:$0xc] =	wrdreg s25  }
0x17: {  	s25 =	simm.s32 $0x2800;
	s26 =	sshrl.u32 s24, $0x3;
	[dreg:$0x11] =	wrdreg s0  }
0x18: {  	s16 =	sor.u32 $0x200, s24;
	s24 =	simm.s32 $0x680;
	s0 =	simm.s32 $0x0  }
0x19: {  	s11 =	sadd.s32 s5, s26;
	s1 =	sshrl.u32 s16, $0x3;
	[dreg:$0xb] =	wrdreg s24  }
0x1a: {  	s26 =	simm.s32 $0x780;
	s24 =	simm.s32 $0x1800;
	[dreg:$0xf] =	wrdreg s11  }
0x1b: {  	s11 =	sadd.s32 s6, s13;
	s16 =	sadd.s32 s1, s5;
	[dreg:$0xd] =	wrdreg s26  }
0x1c: {  	s26 =	simm.s32 $0x3800;
	[dreg:$0x10] =	wrdreg s11;
	s11 =	sadd.s32 $0x40, s14  }
.LBB2_1:
0x1d: {  	s1 =	rddreg [dreg:$0xe]  }
0x1e: {  	[spmem:s17], [sflag:s10] =	dma.local [hbm:s1], $0x30E0  }
0x1f: {  	_ =	swait.ge [sflag:s18], $0x30E0  }
0x20: {  	[sflag:s18] =	ssyncset.done $0x0  }
0x21: {  	[sflag:s18] =	ssyncadd.s32 $0xFFFFCF20  }
0x22: {  	[bflag:$0x0] =	sbarrier.arrive $0xFFFF  }
0x23: {  	s12 =	rddreg [dreg:$0xf]  }
0x24: {  	[tilespmem:s3], [sflag:$0x1] =	stream.linear.gather [hbm4b:s12+s3], $0x200, $0x38;
	[tilespmem:$0x1CF00] =	vst v63  }
0x25: {  	s13 =	rddreg [dreg:$0x10]  }
0x26: {  	[tilespmem:s29], [sflag:$0x1] =	stream.linear.gather [hbm4b:s13+s3], $0x200, $0x38;
	[tilespmem:$0x1CF00] =	vst v63  }
0x27: {  	_ = 	snop  }
0x28: {  	[tilespmem:s19], [sflag:$0x2] =	stream.linear.gather [hbm4b:s16+s3], $0x200, $0x38;
	[tilespmem:$0x1CF00] =	vst v63  }
0x29: {  	_ = 	snop  }
0x2a: {  	[tilespmem:s20], [sflag:$0x2] =	stream.linear.gather [hbm4b:s11+s3], $0x200, $0x38;
	[tilespmem:$0x1CF00] =	vst v63  }
0x2b: {  	_ =	swait.ge [sflag:s21], $0x200  }
0x2c: {  	[sflag:s21] =	ssyncset.done $0x0  }
0x2d: {  	[sflag:s21] =	ssyncadd.s32 $0xFFFFFE00  }
0x2e: {  	_ =	swait.ge [sflag:s21], $0x200  }
0x2f: {  	[sflag:s21] =	ssyncset.done $0x0  }
0x30: {  	[sflag:s21] =	ssyncadd.s32 $0xFFFFFE00  }
0x31: {  	[tilespmem:s23], [sflag:$0x3] =	stream.indirect.gather [hbm4b:s4+s22], $0x20, s3, s22, $0xb8;
	[tilespmem:$0x1CF00] =	vst v63  }
0x32: {  	_ = 	snop  }
0x33: {  	[tilespmem:s24], [sflag:$0x3] =	stream.indirect.gather [hbm4b:s4+s22], $0x20, s22, s22, $0xb8;
	[tilespmem:$0x1CF00] =	vst v63  }
0x34: {  	s14 =	rddreg [dreg:$0x3]  }
0x35: {  	[tilespmem:s25], [sflag:$0x3] =	stream.indirect.gather [hbm4b:s4+s22], $0x20, s14, s22, $0xb8;
	[tilespmem:$0x1CF00] =	vst v63  }
0x36: {  	s9 =	rddreg [dreg:$0x4]  }
0x37: {  	[tilespmem:s26], [sflag:$0x3] =	stream.indirect.gather [hbm4b:s4+s22], $0x20, s9, s22, $0xb8;
	[tilespmem:$0x1CF00] =	vst v63  }
0x38: {  	_ =	swait.ge [sflag:s28], $0x1000  }
0x39: {  	[sflag:s28] =	ssyncset.done $0x0  }
0x3a: {  	[sflag:s28] =	ssyncadd.s32 $0xFFFFF000  }
0x3b: {  	[spmem:s2] =	stream.indirect.scatter.add.f32 [tilespmem:s23], [sflag:$0x4], $0x20, s29, s22, $0xb8;
	[tilespmem:$0x1CF00] =	vst v63  }
0x3c: {  	_ =	swait.ge [sflag:s28], $0x1000  }
0x3d: {  	[sflag:s28] =	ssyncset.done $0x0  }
0x3e: {  	s15 =	rddreg [dreg:$0x5];
	[sflag:s28] =	ssyncadd.s32 $0xFFFFF000  }
0x3f: {  	[spmem:s2] =	stream.indirect.scatter.add.f32 [tilespmem:s24], [sflag:$0x4], $0x20, s15, s22, $0xb8;
	[tilespmem:$0x1CF00] =	vst v63  }
0x40: {  	_ =	swait.ge [sflag:s28], $0x1000  }
0x41: {  	[sflag:s28] =	ssyncset.done $0x0  }
0x42: {  	s9 =	rddreg [dreg:$0x6];
	[sflag:s28] =	ssyncadd.s32 $0xFFFFF000  }
0x43: {  	[spmem:s2] =	stream.indirect.scatter.add.f32 [tilespmem:s25], [sflag:$0x4], $0x20, s9, s22, $0xb8;
	[tilespmem:$0x1CF00] =	vst v63  }
0x44: {  	_ =	swait.ge [sflag:s28], $0x1000  }
0x45: {  	[sflag:s28] =	ssyncset.done $0x0  }
0x46: {  	s12 =	rddreg [dreg:$0x7];
	[sflag:s28] =	ssyncadd.s32 $0xFFFFF000  }
0x47: {  	[spmem:s2] =	stream.indirect.scatter.add.f32 [tilespmem:s26], [sflag:$0x4], $0x20, s12, s22, $0xb8;
	[tilespmem:$0x1CF00] =	vst v63  }
0x48: {  	_ =	swait.ge [sflag:s30], $0x200  }
0x49: {  	[sflag:s30] =	ssyncset.done $0x0  }
0x4a: {  	[sflag:s30] =	ssyncadd.s32 $0xFFFFFE00  }
0x4b: {  	_ =	swait.ge [sflag:s30], $0x200  }
0x4c: {  	[sflag:s30] =	ssyncset.done $0x0  }
0x4d: {  	[sflag:s30] =	ssyncadd.s32 $0xFFFFFE00  }
0x4e: {  	_ =	swait.ge [sflag:s31], $0x1000  }
0x4f: {  	[sflag:s31] =	ssyncset.done $0x0  }
0x50: {  	[sflag:s31] =	ssyncadd.s32 $0xFFFFF000  }
0x51: {  	_ =	swait.ge [sflag:s31], $0x1000  }
0x52: {  	[sflag:s31] =	ssyncset.done $0x0  }
0x53: {  	[sflag:s31] =	ssyncadd.s32 $0xFFFFF000  }
0x54: {  	p0 =	por $0x0, $0x0;
	s1 =	simm.s32 $0x400;
	_ =	swait.ge [sflag:s31], $0x1000  }
0x55: {  	s1 =	simm.s32 @p0 $0x0;
	[sflag:s31] =	ssyncset.done $0x0  }
0x56: {  	s1 =	sadd.s32 s8, s1;
	[sflag:s31] =	ssyncadd.s32 $0xFFFFF000  }
0x57: {  	s13 =	sadd.s32 s7, s1;
	_ =	swait.ge [sflag:s31], $0x1000  }
0x58: {  	s9 =	sshrl.u32 s13, $0x3;
	[sflag:s31] =	ssyncset.done $0x0  }
0x59: {  	s1 =	sshrl.u32 s1, $0x3;
	s9 =	sadd.s32 s5, s9;
	[sflag:s31] =	ssyncadd.s32 $0xFFFFF000  }
0x5a: {  	[tilespmem:s3], [sflag:$0x1] =	stream.linear.gather [hbm4b:s9+s3], $0x200, $0x38;
	[tilespmem:$0x1CF00] =	vst v63  }
0x5b: {  	s1 =	sadd.s32 s6, s1  }
0x5c: {  	[tilespmem:s29], [sflag:$0x1] =	stream.linear.gather [hbm4b:s1+s3], $0x200, $0x38;
	[tilespmem:$0x1CF00] =	vst v63  }
0x5d: {  	_ = 	snop  }
0x5e: {  	[tilespmem:s23], [sflag:$0x3] =	stream.indirect.gather [hbm4b:s4+s22], $0x20, s19, s22, $0xb8;
	[tilespmem:$0x1CF00] =	vst v63  }
0x5f: {  	s14 =	rddreg [dreg:$0x8]  }
0x60: {  	[tilespmem:s24], [sflag:$0x3] =	stream.indirect.gather [hbm4b:s4+s22], $0x20, s14, s22, $0xb8;
	[tilespmem:$0x1CF00] =	vst v63  }
0x61: {  	s15 =	rddreg [dreg:$0x9]  }
0x62: {  	[tilespmem:s25], [sflag:$0x3] =	stream.indirect.gather [hbm4b:s4+s22], $0x20, s15, s22, $0xb8;
	[tilespmem:$0x1CF00] =	vst v63  }
0x63: {  	s12 =	rddreg [dreg:$0xa]  }
0x64: {  	[tilespmem:s26], [sflag:$0x3] =	stream.indirect.gather [hbm4b:s4+s22], $0x20, s12, s22, $0xb8;
	[tilespmem:$0x1CF00] =	vst v63  }
0x65: {  	_ =	swait.ge [sflag:s28], $0x1000  }
0x66: {  	[sflag:s28] =	ssyncset.done $0x0  }
0x67: {  	[sflag:s28] =	ssyncadd.s32 $0xFFFFF000  }
0x68: {  	[spmem:s2] =	stream.indirect.scatter.add.f32 [tilespmem:s23], [sflag:$0x4], $0x20, s20, s22, $0xb8;
	[tilespmem:$0x1CF00] =	vst v63  }
0x69: {  	_ =	swait.ge [sflag:s28], $0x1000  }
0x6a: {  	[sflag:s28] =	ssyncset.done $0x0  }
0x6b: {  	s13 =	rddreg [dreg:$0xb];
	[sflag:s28] =	ssyncadd.s32 $0xFFFFF000  }
0x6c: {  	[spmem:s2] =	stream.indirect.scatter.add.f32 [tilespmem:s24], [sflag:$0x4], $0x20, s13, s22, $0xb8;
	[tilespmem:$0x1CF00] =	vst v63  }
0x6d: {  	_ =	swait.ge [sflag:s28], $0x1000  }
0x6e: {  	[sflag:s28] =	ssyncset.done $0x0  }
0x6f: {  	s14 =	rddreg [dreg:$0xc];
	[sflag:s28] =	ssyncadd.s32 $0xFFFFF000  }
0x70: {  	[spmem:s2] =	stream.indirect.scatter.add.f32 [tilespmem:s25], [sflag:$0x4], $0x20, s14, s22, $0xb8;
	[tilespmem:$0x1CF00] =	vst v63  }
0x71: {  	_ =	swait.ge [sflag:s28], $0x1000  }
0x72: {  	[sflag:s28] =	ssyncset.done $0x0  }
0x73: {  	s15 =	rddreg [dreg:$0xd];
	[sflag:s28] =	ssyncadd.s32 $0xFFFFF000  }
0x74: {  	[spmem:s2] =	stream.indirect.scatter.add.f32 [tilespmem:s26], [sflag:$0x4], $0x20, s15, s22, $0xb8;
	[tilespmem:$0x1CF00] =	vst v63  }
0x75: {  	_ =	swait.ge [sflag:s31], $0x1000  }
0x76: {  	[sflag:s31] =	ssyncset.done $0x0  }
0x77: {  	[sflag:s31] =	ssyncadd.s32 $0xFFFFF000  }
0x78: {  	_ =	swait.ge [sflag:s31], $0x1000  }
0x79: {  	[sflag:s31] =	ssyncset.done $0x0  }
0x7a: {  	[sflag:s31] =	ssyncadd.s32 $0xFFFFF000  }
0x7b: {  	_ =	swait.ge [sflag:s31], $0x1000  }
0x7c: {  	[sflag:s31] =	ssyncset.done $0x0  }
0x7d: {  	[sflag:s31] =	ssyncadd.s32 $0xFFFFF000  }
0x7e: {  	s9 =	sadd.s32 $0x80, s16;
	_ =	swait.ge [sflag:s31], $0x1000  }
0x7f: {  	s1 =	simm.s32 $0x800;
	s15 =	smov.u32 s11;
	[sflag:s31] =	ssyncset.done $0x0  }
.LBB2_2:
0x80: {  	[sflag:s31] =	ssyncadd.s32 $0xFFFFF000  }
0x81: {  	[tilespmem:s19], [sflag:$0x2] =	stream.linear.gather [hbm4b:s9+s3], $0x200, $0x38;
	[tilespmem:$0x1CF00] =	vst v63  }
0x82: {  	s15 =	sadd.s32 $0x80, s15  }
0x83: {  	[tilespmem:s20], [sflag:$0x2] =	stream.linear.gather [hbm4b:s15+s3], $0x200, $0x38;
	[tilespmem:$0x1CF00] =	vst v63  }
0x84: {  	_ =	swait.ge [sflag:s21], $0x200  }
0x85: {  	[sflag:s21] =	ssyncset.done $0x0  }
0x86: {  	[sflag:s21] =	ssyncadd.s32 $0xFFFFFE00  }
0x87: {  	_ =	swait.ge [sflag:s21], $0x200  }
0x88: {  	[sflag:s21] =	ssyncset.done $0x0  }
0x89: {  	[sflag:s21] =	ssyncadd.s32 $0xFFFFFE00  }
0x8a: {  	[tilespmem:s23], [sflag:$0x3] =	stream.indirect.gather [hbm4b:s4+s22], $0x20, s3, s22, $0xb8;
	[tilespmem:$0x1CF00] =	vst v63  }
0x8b: {  	_ = 	snop  }
0x8c: {  	[tilespmem:s24], [sflag:$0x3] =	stream.indirect.gather [hbm4b:s4+s22], $0x20, s22, s22, $0xb8;
	[tilespmem:$0x1CF00] =	vst v63  }
0x8d: {  	s13 =	rddreg [dreg:$0x3]  }
0x8e: {  	[tilespmem:s25], [sflag:$0x3] =	stream.indirect.gather [hbm4b:s4+s22], $0x20, s13, s22, $0xb8;
	[tilespmem:$0x1CF00] =	vst v63  }
0x8f: {  	s14 =	rddreg [dreg:$0x4]  }
0x90: {  	[tilespmem:s26], [sflag:$0x3] =	stream.indirect.gather [hbm4b:s4+s22], $0x20, s14, s22, $0xb8;
	[tilespmem:$0x1CF00] =	vst v63  }
0x91: {  	_ =	swait.ge [sflag:s28], $0x1000  }
0x92: {  	[sflag:s28] =	ssyncset.done $0x0  }
0x93: {  	[sflag:s28] =	ssyncadd.s32 $0xFFFFF000  }
0x94: {  	[spmem:s2] =	stream.indirect.scatter.add.f32 [tilespmem:s23], [sflag:$0x4], $0x20, s29, s22, $0xb8;
	[tilespmem:$0x1CF00] =	vst v63  }
0x95: {  	_ =	swait.ge [sflag:s28], $0x1000  }
0x96: {  	[sflag:s28] =	ssyncset.done $0x0  }
0x97: {  	s14 =	rddreg [dreg:$0x5];
	[sflag:s28] =	ssyncadd.s32 $0xFFFFF000  }
0x98: {  	[spmem:s2] =	stream.indirect.scatter.add.f32 [tilespmem:s24], [sflag:$0x4], $0x20, s14, s22, $0xb8;
	[tilespmem:$0x1CF00] =	vst v63  }
0x99: {  	_ =	swait.ge [sflag:s28], $0x1000  }
0x9a: {  	[sflag:s28] =	ssyncset.done $0x0  }
0x9b: {  	s14 =	rddreg [dreg:$0x6];
	[sflag:s28] =	ssyncadd.s32 $0xFFFFF000  }
0x9c: {  	[spmem:s2] =	stream.indirect.scatter.add.f32 [tilespmem:s25], [sflag:$0x4], $0x20, s14, s22, $0xb8;
	[tilespmem:$0x1CF00] =	vst v63  }
0x9d: {  	_ =	swait.ge [sflag:s28], $0x1000  }
0x9e: {  	[sflag:s28] =	ssyncset.done $0x0  }
0x9f: {  	s14 =	rddreg [dreg:$0x7];
	[sflag:s28] =	ssyncadd.s32 $0xFFFFF000  }
0xa0: {  	[spmem:s2] =	stream.indirect.scatter.add.f32 [tilespmem:s26], [sflag:$0x4], $0x20, s14, s22, $0xb8;
	[tilespmem:$0x1CF00] =	vst v63  }
0xa1: {  	_ =	swait.ge [sflag:s30], $0x200  }
0xa2: {  	[sflag:s30] =	ssyncset.done $0x0  }
0xa3: {  	[sflag:s30] =	ssyncadd.s32 $0xFFFFFE00  }
0xa4: {  	_ =	swait.ge [sflag:s30], $0x200  }
0xa5: {  	[sflag:s30] =	ssyncset.done $0x0  }
0xa6: {  	[sflag:s30] =	ssyncadd.s32 $0xFFFFFE00  }
0xa7: {  	_ =	swait.ge [sflag:s31], $0x1000  }
0xa8: {  	[sflag:s31] =	ssyncset.done $0x0  }
0xa9: {  	[sflag:s31] =	ssyncadd.s32 $0xFFFFF000  }
0xaa: {  	_ =	swait.ge [sflag:s31], $0x1000  }
0xab: {  	[sflag:s31] =	ssyncset.done $0x0  }
0xac: {  	s12 =	smov.u32 s1;
	[sflag:s31] =	ssyncadd.s32 $0xFFFFF000  }
0xad: {  	p1 =	seq.s32 s12, $0xC400;
	_ =	swait.ge [sflag:s31], $0x1000  }
0xae: {  	s12 =	simm.s32 @p1 $0x0;
	[sflag:s31] =	ssyncset.done $0x0  }
0xaf: {  	s12 =	sadd.s32 s8, s12;
	[sflag:s31] =	ssyncadd.s32 $0xFFFFF000  }
0xb0: {  	s14 =	sadd.s32 s7, s12;
	_ =	swait.ge [sflag:s31], $0x1000  }
0xb1: {  	s13 =	sshrl.u32 s14, $0x3;
	[sflag:s31] =	ssyncset.done $0x0  }
0xb2: {  	s12 =	sshrl.u32 s12, $0x3;
	s13 =	sadd.s32 s5, s13;
	[sflag:s31] =	ssyncadd.s32 $0xFFFFF000  }
0xb3: {  	[tilespmem:s3], [sflag:$0x1] =	stream.linear.gather [hbm4b:s13+s3], $0x200, $0x38;
	[tilespmem:$0x1CF00] =	vst v63  }
0xb4: {  	s12 =	sadd.s32 s6, s12  }
0xb5: {  	[tilespmem:s29], [sflag:$0x1] =	stream.linear.gather [hbm4b:s12+s3], $0x200, $0x38;
	[tilespmem:$0x1CF00] =	vst v63  }
0xb6: {  	_ = 	snop  }
0xb7: {  	[tilespmem:s23], [sflag:$0x3] =	stream.indirect.gather [hbm4b:s4+s22], $0x20, s19, s22, $0xb8;
	[tilespmem:$0x1CF00] =	vst v63  }
0xb8: {  	s14 =	rddreg [dreg:$0x8]  }
0xb9: {  	[tilespmem:s24], [sflag:$0x3] =	stream.indirect.gather [hbm4b:s4+s22], $0x20, s14, s22, $0xb8;
	[tilespmem:$0x1CF00] =	vst v63  }
0xba: {  	s13 =	rddreg [dreg:$0x9]  }
0xbb: {  	[tilespmem:s25], [sflag:$0x3] =	stream.indirect.gather [hbm4b:s4+s22], $0x20, s13, s22, $0xb8;
	[tilespmem:$0x1CF00] =	vst v63  }
0xbc: {  	s14 =	rddreg [dreg:$0xa]  }
0xbd: {  	[tilespmem:s26], [sflag:$0x3] =	stream.indirect.gather [hbm4b:s4+s22], $0x20, s14, s22, $0xb8;
	[tilespmem:$0x1CF00] =	vst v63  }
0xbe: {  	_ =	swait.ge [sflag:s28], $0x1000  }
0xbf: {  	[sflag:s28] =	ssyncset.done $0x0  }
0xc0: {  	[sflag:s28] =	ssyncadd.s32 $0xFFFFF000  }
0xc1: {  	[spmem:s2] =	stream.indirect.scatter.add.f32 [tilespmem:s23], [sflag:$0x4], $0x20, s20, s22, $0xb8;
	[tilespmem:$0x1CF00] =	vst v63  }
0xc2: {  	_ =	swait.ge [sflag:s28], $0x1000  }
0xc3: {  	[sflag:s28] =	ssyncset.done $0x0  }
0xc4: {  	s14 =	rddreg [dreg:$0xb];
	[sflag:s28] =	ssyncadd.s32 $0xFFFFF000  }
0xc5: {  	[spmem:s2] =	stream.indirect.scatter.add.f32 [tilespmem:s24], [sflag:$0x4], $0x20, s14, s22, $0xb8;
	[tilespmem:$0x1CF00] =	vst v63  }
0xc6: {  	_ =	swait.ge [sflag:s28], $0x1000  }
0xc7: {  	[sflag:s28] =	ssyncset.done $0x0  }
0xc8: {  	s13 =	rddreg [dreg:$0xc];
	[sflag:s28] =	ssyncadd.s32 $0xFFFFF000  }
0xc9: {  	[spmem:s2] =	stream.indirect.scatter.add.f32 [tilespmem:s25], [sflag:$0x4], $0x20, s13, s22, $0xb8;
	[tilespmem:$0x1CF00] =	vst v63  }
0xca: {  	_ =	swait.ge [sflag:s28], $0x1000  }
0xcb: {  	[sflag:s28] =	ssyncset.done $0x0  }
0xcc: {  	s14 =	rddreg [dreg:$0xd];
	[sflag:s28] =	ssyncadd.s32 $0xFFFFF000  }
0xcd: {  	[spmem:s2] =	stream.indirect.scatter.add.f32 [tilespmem:s26], [sflag:$0x4], $0x20, s14, s22, $0xb8;
	[tilespmem:$0x1CF00] =	vst v63  }
0xce: {  	_ =	swait.ge [sflag:s31], $0x1000  }
0xcf: {  	[sflag:s31] =	ssyncset.done $0x0  }
0xd0: {  	[sflag:s31] =	ssyncadd.s32 $0xFFFFF000  }
0xd1: {  	_ =	swait.ge [sflag:s31], $0x1000  }
0xd2: {  	[sflag:s31] =	ssyncset.done $0x0  }
0xd3: {  	p0 =	sne.s32 s1, $0xC400;
	[sflag:s31] =	ssyncadd.s32 $0xFFFFF000  }
.Ltmp0:
0xd4: {  	_ =	swait.ge [sflag:s31], $0x1000;
	(pc) =	sbr.rel @p0 .LBB2_2-.Ltmp0, $4  }
0xd5: {  	[sflag:s31] =	ssyncset.done $0x0  }
0xd6: {  	[sflag:s31] =	ssyncadd.s32 $0xFFFFF000  }
0xd7: {  	_ =	swait.ge [sflag:s31], $0x1000  }
0xd8: {  	s1 =	sadd.s32 $0x400, s1;
	s9 =	sadd.s32 $0x80, s9;
	[sflag:s31] =	ssyncset.done $0x0  }
0xd9: {  	[sflag:s31] =	ssyncadd.s32 $0xFFFFF000  }
0xda: {  	_ =	swait.ge [sflag:s21], $0x200  }
0xdb: {  	[sflag:s21] =	ssyncset.done $0x0  }
0xdc: {  	[sflag:s21] =	ssyncadd.s32 $0xFFFFFE00  }
0xdd: {  	_ =	swait.ge [sflag:s21], $0x200  }
0xde: {  	[sflag:s21] =	ssyncset.done $0x0  }
0xdf: {  	[sflag:s21] =	ssyncadd.s32 $0xFFFFFE00  }
0xe0: {  	[bflag:$0x0] =	sbarrier.arrive $0xFFFF  }
0xe1: {  	s1 =	rddreg [dreg:$0x11]  }
0xe2: {  	[hbm:s1], [sflag:s10] =	dma.local [spmem:s17], $0x30E0  }
0xe3: {  	_ =	swait.ge [sflag:s18], $0x30E0  }
0xe4: {  	s0 =	sadd.s32 $0x1, s0;
	s15 =	rddreg [dreg:$0x12]  }
0xe5: {  	p0 =	sne.s32 s0, s15  }
.Ltmp1:
0xe6: {  	_ = 	snop;
	(pc) =	sbr.rel @p0 .LBB2_1-.Ltmp1, $3  }
0xe7: {  	_ =	sdelay $0x1  }
0xe8: {  	[sflag:s18] =	ssyncset.done $0x0  }
0xe9: {  	[sflag:s18] =	ssyncadd.s32 $0xFFFFCF20  }
0xea: {  	_ =	sfence.sel $0x180000  }
0xeb: {  	[bflag:$0x0] =	sbarrier.arrive $0xFFFF  }
0xec: {  	_ =	strace $0x90000047  }
0xed: {  	s0 =	stileid.u32;
	[bflag:$0x2] =	sbarrier.arrive $0xFFFF  }
0xee: {  	p0 =	sne.s32 s0, $0x0;
	s0 =	rddreg [dreg:$0x2]  }
0xef: {  	s0 =	sadd.s32 @!p0 $0x100000, s0  }
0xf0: {  	[sflag:s0] =	ssyncadd.tile.s32 @!p0 $0x1;
	_ =	shalt  }
.Lfunc_end2:
_tile_overlayer_lowered:
.L_overlay_start_2:
0xf1: {  	(tag) =	ssettag $0x2  }
0xf2: {  	s0 =	rddreg [dreg:$0x0];
	s2 =	stileid.u32  }
0xf3: {  	s1 =	rddreg [dreg:$0x1];
	p0 =	sne.s32 s2, $0x0  }
0xf4: {  	s3 =	rddreg [dreg:$0x2];
	[bflag:$0x3] =	sbarrier.arrive $0xFFFF;
	s2 =	simm.s32 @!p0 $0x1C05  }
0xf5: {  	[timem:s3], [sflag:s2] =	dma.local @!p0 [hbm:s0], s1  }
0xf6: {  	s0 =	simm.s32 @!p0 $0x5  }
0xf7: {  	_ =	swait.ge @!p0 [sflag:s0], s1  }
0xf8: {  	s1 =	ssub.s32 @!p0 $0x0, s1;
	[sflag:s0] =	ssyncset.done @!p0 $0x0  }
0xf9: {  	[sflag:s0] =	ssyncadd.s32 @!p0 s1  }
0xfa: {  	[bflag:$0x3] =	sbarrier.arrive $0xFFFF  }
0xfb: {  	_ =	shalt  }

// kernel: kernel.8.cloned.1.call-start
scs
__scs_entry_jumppad:
0x0: {  	(pc) =	sbr.rel $0x88, $3  }
0x1: {  	(tag) =	ssettag $0x0;
	lr =	simm.s32 $0x1  }
0x2: {  	[smem:$0x3F98] =	sst lr;
	_ =	strace $0xD0000000  }
0x3: {  	_ = 	snop  }
0x4: {  	_ = 	snop  }
0x5: {  	_ = 	snop  }
0x6: {  	_ = 	snop  }
0x7: {  	_ = 	snop  }
__scs_overlays_trampoline_lowered:
0x8: {  	[smem:$0x3FA7] =	sst s0  }
0x9: {  	[smem:$0x3FA8] =	sst s1  }
0xa: {  	[smem:$0x3FA9] =	sst s2  }
0xb: {  	[smem:$0x3FAA] =	sst s3  }
0xc: {  	[smem:$0x3FAB] =	sst s4  }
0xd: {  	[smem:$0x3FAC] =	sst s5  }
0xe: {  	[smem:$0x3FAD] =	sst s6  }
0xf: {  	[smem:$0x3FAE] =	sst s7  }
0x10: {  	[smem:$0x3FAF] =	sst s8  }
0x11: {  	[smem:$0x3FB0] =	sst s9;
	s0 =	simm.s32 @!p0 $0x0  }
0x12: {  	s1 =	sld [smem:$0x3F96];
	s0 =	simm.s32 @p0 $0x1  }
0x13: {  	[smem:$0x3FB1] =	sst s0;
	s0 =	simm.s32 @!p1 $0x0  }
0x14: {  	s2 =	sld [smem:$0x3F95];
	s0 =	simm.s32 @p1 $0x1  }
0x15: {  	[smem:$0x3FB2] =	sst s0;
	s0 =	simm.s32 @!p2 $0x0  }
0x16: {  	s3 =	sld [smem:$0x3FDB];
	s0 =	simm.s32 @p2 $0x1  }
0x17: {  	s4 =	simm.s32 $0x1BF5;
	[smem:$0x3FB4] =	sst s0  }
0x18: {  	s0 =	sld [smem:$0x3F97];
	_ =	swait.ge [sflag:s4], $0x0  }
0x19: {  	s7 =	sld [smem:$0x3F98]  }
0x1a: {  	s8 =	sadd.s32 $0xFFFFE003, lr  }
0x1b: {  	s9 =	sadd.s32 $0xFFFFFEF7, lr;
	s5 =	simm.s32 $0xFFFFFFFF;
	p2 =	slt.u32 s8, $0xFFFFF086  }
0x1c: {  	p1 =	slt.u32 s9, $0xF7A;
	s5 =	simm.s32 @!p2 $0x0  }
0x1d: {  	s5 =	simm.s32 @p1 $0x1;
	p0 =	seq.s32 s7, s2  }
0x1e: {  	s7 =	smul.u32 @!p0 $0xF7A, s2;
	p2 =	seq.s32 @!p0 s5, $0x0  }
0x1f: {  	s9 =	smul.u32 $0xF7A, s1;
	s8 =	simm.s32 @!p0 $0x1BF5;
	p2 =	por !p2, p0  }
0x20: {  	[sflag:s8] =	ssyncset.s32 @!p0 $0xFFFFF086;
	s6 =	sadd.s32 @!p0 s3, s7;
	s7 =	simm.s32 @!p0 $0x108  }
0x21: {  	s3 =	sadd.s32 s3, s9;
	s6 =	sadd.s32 @!p0 $0x88, s6;
	s7 =	simm.s32 @p2 $0x1082  }
0x22: {  	[simem:s7], [sflag:s8] =	dma.local @!p0 [hbm:s6], $0xF7A  }
0x23: {  	s9 =	sor.u32 $0xD0000000, s2;
	s6 =	simm.s32 $0x108;
	_ =	swait.ge @!p0 [sflag:s8], $0x0  }
0x24: {  	s3 =	sadd.s32 $0x88, s3;
	s6 =	simm.s32 @!p1 $0x1082;
	[sflag:s4] =	ssyncset.s32 $0xFFFFF086  }
0x25: {  	[simem:s6], [sflag:s4] =	dma.local [hbm:s3], $0xF7A  }
0x26: {  	[smem:$0x3F98] =	sst s1;
	(tag) =	ssettag s2;
	_ =	strace s9  }
0x27: {  	s1 =	sld [smem:$0x3FA8]  }
0x28: {  	s2 =	sld [smem:$0x3FA9]  }
0x29: {  	s4 =	sld [smem:$0x3FAB]  }
0x2a: {  	p0 =	seq.s32 s5, $0x0;
	s5 =	sld [smem:$0x3FAC]  }
0x2b: {  	s6 =	sld [smem:$0x3FAD]  }
0x2c: {  	s7 =	sld [smem:$0x3FAE]  }
0x2d: {  	s3 =	simm.s32 $0x108;
	s8 =	sld [smem:$0x3FAF]  }
0x2e: {  	s3 =	simm.s32 @!p0 $0x1082;
	s9 =	sld [smem:$0x3FB0]  }
0x2f: {  	lr =	sadd.s32 s0, s3;
	s0 =	sld [smem:$0x3FA7]  }
0x30: {  	s3 =	sld [smem:$0x3FAA]  }
0x31: {  	[smem:$0x3FB3] =	sst s10  }
0x32: {  	s10 =	sld [smem:$0x3FB1];
	_ =	sdelay $0x3  }
0x33: {  	p0 =	seq.s32 s10, $0x1;
	s10 =	sld [smem:$0x3FB3];
	_ =	sdelay $0x3  }
0x34: {  	[smem:$0x3FB3] =	sst s10  }
0x35: {  	s10 =	sld [smem:$0x3FB2];
	_ =	sdelay $0x3  }
0x36: {  	p1 =	seq.s32 s10, $0x1;
	s10 =	sld [smem:$0x3FB3];
	_ =	sdelay $0x3  }
0x37: {  	[smem:$0x3FB3] =	sst s10  }
0x38: {  	s10 =	sld [smem:$0x3FB4]  }
0x39: {  	_ = 	snop;
	(pc) =	sbr.ind lr, $3  }
0x3a: {  	_ = 	snop  }
0x3b: {  	_ = 	snop  }
0x3c: {  	p2 =	seq.s32 s10, $0x1;
	s10 =	sld [smem:$0x3FB3]  }
0x3d: {  	_ =	shalt  }
0x3e: {  	_ =	shalt  }
0x3f: {  	_ =	shalt  }
0x40: {  	_ =	shalt  }
0x41: {  	_ =	shalt  }
0x42: {  	_ =	shalt  }
0x43: {  	_ =	shalt  }
0x44: {  	_ =	shalt  }
0x45: {  	_ =	shalt  }
0x46: {  	_ =	shalt  }
0x47: {  	_ =	shalt  }
0x48: {  	_ =	shalt  }
0x49: {  	_ =	shalt  }
0x4a: {  	_ =	shalt  }
0x4b: {  	_ =	shalt  }
0x4c: {  	_ =	shalt  }
0x4d: {  	_ =	shalt  }
0x4e: {  	_ =	shalt  }
0x4f: {  	_ =	shalt  }
0x50: {  	_ =	shalt  }
0x51: {  	_ =	shalt  }
0x52: {  	_ =	shalt  }
0x53: {  	_ =	shalt  }
0x54: {  	_ =	shalt  }
0x55: {  	_ =	shalt  }
0x56: {  	_ =	shalt  }
0x57: {  	_ =	shalt  }
0x58: {  	_ =	shalt  }
0x59: {  	_ =	shalt  }
0x5a: {  	_ =	shalt  }
0x5b: {  	_ =	shalt  }
0x5c: {  	_ =	shalt  }
0x5d: {  	_ =	shalt  }
0x5e: {  	_ =	shalt  }
0x5f: {  	_ =	shalt  }
0x60: {  	_ =	shalt  }
0x61: {  	_ =	shalt  }
0x62: {  	_ =	shalt  }
0x63: {  	_ =	shalt  }
0x64: {  	_ =	shalt  }
0x65: {  	_ =	shalt  }
0x66: {  	_ =	shalt  }
0x67: {  	_ =	shalt  }
0x68: {  	_ =	shalt  }
0x69: {  	_ =	shalt  }
0x6a: {  	_ =	shalt  }
0x6b: {  	_ =	shalt  }
0x6c: {  	_ =	shalt  }
0x6d: {  	_ =	shalt  }
0x6e: {  	_ =	shalt  }
0x6f: {  	_ =	shalt  }
0x70: {  	_ =	shalt  }
0x71: {  	_ =	shalt  }
0x72: {  	_ =	shalt  }
0x73: {  	_ =	shalt  }
0x74: {  	_ =	shalt  }
0x75: {  	_ =	shalt  }
0x76: {  	_ =	shalt  }
0x77: {  	_ =	shalt  }
0x78: {  	_ =	shalt  }
0x79: {  	_ =	shalt  }
0x7a: {  	_ =	shalt  }
0x7b: {  	_ =	shalt  }
0x7c: {  	_ =	shalt  }
0x7d: {  	_ =	shalt  }
0x7e: {  	_ =	shalt  }
0x7f: {  	_ =	shalt  }
0x80: {  	_ =	shalt  }
0x81: {  	_ =	shalt  }
0x82: {  	_ =	shalt  }
0x83: {  	_ =	shalt  }
0x84: {  	_ =	shalt  }
0x85: {  	_ =	shalt  }
0x86: {  	_ =	shalt  }
0x87: {  	_ =	shalt  }
.Lfunc_end0:
.L_simem_size_0:
called_computation.1_lowered:
.L_overlay_start_0:
0x88: {  	s2 =	sld [smem:$0x3FD9]  }
0x89: {  	s3 =	sld [smem:$0x3FFE];
	_ =	sdelay $0x1  }
0x8a: {  	s1 =	srdreg.scid  }
0x8b: {  	s0 =	sand.u32 $0x1, s1  }
0x8c: {  	s17 =	sshll.u32 s0, $0xA;
	s2 =	sadd.s32 s3, s2  }
0x8d: {  	s2 =	sadd.s32 s2, s17  }
0x8e: {  	[smem:$0x3FBF] =	sst s2  }
0x8f: {  	_ = 	snop  }
0x90: {  	s18 =	sld [smem:$0x3FD0];
	(tm) =	ssettm $0x1  }
0x91: {  	s19 =	sld [smem:$0x3FFB];
	_ =	sdelay $0x3  }
0x92: {  	_ =	strace s19  }
0x93: {  	s2 =	sld [smem:$0x3FFC];
	_ =	sdelay $0x3  }
0x94: {  	_ =	strace s2  }
0x95: {  	s2 =	sld [smem:$0x3FFD];
	_ =	sdelay $0x3  }
0x96: {  	_ =	strace s2  }
0x97: {  	_ =	strace $0x8FFFFFFF  }
0x98: {  	s20 =	sld [smem:$0x3FDB];
	_ =	sdelay $0x1  }
0x99: {  	s4 =	simm.s32 $_scs_section_size  }
0x9a: {  	s5 =	simm.s32 $_size__tile_overlayer_lowered;
	s6 =	simm.s32 $_tile_overlayer_lowered  }
0x9b: {  	s7 =	simm.s32 $0x1BFF;
	s21 =	sshll.u32 s6, $0x1;
	s4 =	sadd.s32 s4, s20  }
0x9c: {  	s22 =	simm.s32 $0x0;
	s5 =	sshll.u32 s5, $0x1;
	s6 =	sadd.s32 s21, s4  }
0x9d: {  	[timem:s22], [sflag:s7] =	dma.local [hbm:s6], s5  }
0x9e: {  	_ =	swait.ge [sflag:s7], s5  }
0x9f: {  	s5 =	ssub.s32 $0x0, s5;
	[sflag:s7] =	ssyncset.done $0x0  }
0xa0: {  	[sflag:s7] =	ssyncadd.s32 s5;
	_ =	sdelay $0x1  }
0xa1: {  	s23 =	simm.s32 $0x1B8B  }
0xa2: {  	_ =	swait.ge [sflag:s23], $0x1  }
0xa3: {  	[sflag:s23] =	ssyncset.done $0x0  }
0xa4: {  	[sflag:s23] =	ssyncadd.s32 $0xFFFFFFFF  }
0xa5: {  	s5 =	sld [smem:$0x0]  }
0xa6: {  	s6 =	sand.u32 $0xFFFFFFFE, s1  }
0xa7: {  	p0 =	sne.s32 s1, s6  }
0xa8: {  	s6 =	sshll.u32 @p0 s6, $0xE  }
0xa9: {  	s6 =	sadd.s32 @p0 $0x11B8D, s6;
	s7 =	sshll.u32 @p0 s5, $0x11  }
0xaa: {  	s6 =	sor.u32 @p0 s7, s6  }
0xab: {  	[sflag:s6] =	ssyncadd.remote.s32 @p0 $0x1;
	_ =	sdelay $0x1  }
0xac: {  	s6 =	simm.s32 @p0 $0x1B8D  }
0xad: {  	_ =	swait.eq @p0 [sflag:s6], $0x1  }
0xae: {  	[sflag:s6] =	ssyncadd.s32 @p0 $0xFFFFFFFF  }
0xaf: {  	s7 =	sshll.u32 @!p0 s1, $0xE  }
0xb0: {  	s7 =	sor.u32 @!p0 $0x4000, s7;
	s6 =	simm.s32 @!p0 $0x1B8D  }
0xb1: {  	s5 =	sshll.u32 @!p0 s5, $0x11;
	s7 =	sadd.s32 @!p0 $0x11B8D, s7;
	_ =	swait.eq @!p0 [sflag:s6], $0x1  }
0xb2: {  	s5 =	sor.u32 @!p0 s5, s7;
	[sflag:s6] =	ssyncadd.s32 @!p0 $0xFFFFFFFF  }
0xb3: {  	s25 =	simm.s32 $0x1B8E;
	s24 =	sld [smem:$0x3FFE];
	[sflag:s5] =	ssyncadd.remote.s32 @!p0 $0x1  }
0xb4: {  	s26 =	simm.s32 $execute0_lowered;
	[smem:$0x3FD2] =	sst s25  }
0xb5: {  	s6 =	sshll.u32 s26, $0x1;
	_ =	strace $0x80000049;
	[dreg:$0x1] =	wrdreg $0xFFFFFFFF  }
0xb6: {  	s28 =	simm.s32 $_size_execute0_lowered;
	s4 =	sadd.s32 s4, s6;
	[dreg:$0x0] =	wrdreg $0x0  }
0xb7: {  	s6 =	sshll.u32 s28, $0x1;
	[dreg:$0x2] =	wrdreg s4  }
0xb8: {  	[dreg:$0x3] =	wrdreg s6  }
0xb9: {  	[dreg:$0x4] =	wrdreg $0xC0  }
0xba: {  	_ =	task [dreg:s22], $0x5FFFF  }
0xbb: {  	[dreg:$0x1] =	wrdreg $0xFFFFFFFF  }
0xbc: {  	[dreg:$0x0] =	wrdreg $0x60  }
0xbd: {  	[dreg:$0x2] =	wrdreg s24  }
0xbe: {  	[dreg:$0x3] =	wrdreg s18  }
0xbf: {  	[dreg:$0x4] =	wrdreg $0x8000  }
0xc0: {  	[dreg:$0x5] =	wrdreg $0xA  }
0xc1: {  	_ =	task.clear_ibuf [dreg:s22], $0x6FFFF;
	_ =	strace $0x90000049  }
0xc2: {  	s29 =	simm.s32 $0xA;
	_ =	strace $0x8000004B  }
0xc3: {  	_ =	swait.ge [sflag:s29], $0x1  }
0xc4: {  	[sflag:s29] =	ssyncadd.s32 $0xFFFFFFFF  }
0xc5: {  	_ =	strace $0x9000004B  }
0xc6: {  	_ =	sfence  }
0xc7: {  	s30 =	sld [smem:$0x0];
	_ =	sdelay $0x2  }
0xc8: {  	s31 =	sshll.u32 s1, $0xD;
	s1 =	sshrl.u32 s1, $0x2  }
0xc9: {  	s4 =	sand.u32 $0x4000, s31;
	s1 =	sadd.s32 s1, s30  }
0xca: {  	s0 =	sor.u32 s4, s0;
	s1 =	sshll.u32 s1, $0x11  }
0xcb: {  	s0 =	sor.u32 s1, s0  }
0xcc: {  	s0 =	sadd.s32 $0x8F2B, s0  }
0xcd: {  	[sflag:s0] =	ssyncadd.remote.s32 $0x1  }
0xce: {  	_ =	sfence.sel $0xFFFF  }
0xcf: {  	[dreg:$0x0] =	wrdreg $0xFFFFFFFF;
	(pc) =	sbr.abs _section_cstart, $3  }
0xd0: {  	[dreg:$0x1] =	wrdreg $0xFFFFFFFF  }
0xd1: {  	_ =	task.clear_ibuf [dreg:s22], $0x2FFFF;
	_ =	strace $0x9FFFFFFF  }
0xd2: {  	(tm) =	ssettm $0x7FFFFFFF  }
0xd3: {  	_ =	shalt  }
tec
execute0_lowered:
.L_overlay_start_1:
0x0: {  	(tag) =	ssettag $0x1  }
0x1: {  	s5 =	rddreg [dreg:$0x0]  }
0x2: {  	s2 =	rddreg [dreg:$0x1]  }
0x3: {  	s3 =	rddreg [dreg:$0x2]  }
0x4: {  	s0 =	srdreg.scid;
	s1 =	rddreg [dreg:$0x3]  }
0x5: {  	s4 =	simm.s32 $0x0;
	s13 =	simm.s32 $0x80;
	s14 =	simm.s32 $0x100  }
0x6: {  	s15 =	simm.s32 $0x180;
	s16 =	simm.s32 $0x200;
	s6 =	sand.u32 $0x1, s0  }
0x7: {  	s17 =	simm.s32 $0x280;
	s0 =	stileid.u32;
	s7 =	smul.u32 $0x64000, s6  }
0x8: {  	s18 =	simm.s32 $0x300;
	s19 =	simm.s32 $0x380;
	s8 =	smul.u32 $0x6400, s0  }
0x9: {  	s20 =	simm.s32 $0x1;
	s21 =	simm.s32 $0x0;
	s29 =	smul.u32 $0x61C0, s0  }
0xa: {  	[smem:$0x7FF] =	sst s4;
	s9 =	smul.u32 $0x61C00, s6;
	s6 =	ssub.s32 $0x2, s6  }
0xb: {  	_ =	strace $0x8000004A;
	s31 =	sshll.u32 s0, $0x6;
	s11 =	sshrl.u32 s6, $0x1  }
0xc: {  	s7 =	sadd.s32 s8, s7;
	s30 =	sshrl.u32 s29, $0x3;
	s9 =	sadd.s32 s29, s9  }
0xd: {  	s11 =	ssub.s32 s6, s11;
	s12 =	sadd.s32 s29, s3;
	s7 =	sshrl.u32 s7, $0x3  }
0xe: {  	s9 =	sshrl.u32 s9, $0x3;
	s10 =	sadd.s32 s7, s5;
	s7 =	sadd.s32 s30, s5  }
0xf: {  	s12 =	sshrl.u32 s12, $0x3;
	s9 =	sadd.s32 s9, s5;
	s5 =	sadd.s32 $0x157E00, s7  }
0x10: {  	s6 =	sadd.s32 $0x164200, s9;
	s7 =	smax.u32 s11, $0x1;
	s8 =	sadd.s32 $0x13EE00, s10  }
0x11: {  	s9 =	simm.s32 $0x400;
	s10 =	simm.s32 $0x2;
	s11 =	sor.u32 $0x1C02, s31  }
.LBB2_1:
0x12: {  	[tilespmem:s9], [sflag:$0x2] =	stream.linear.gather [hbm4b:s2+s4], $0x400, $0x38;
	[tilespmem:$0x69C0] =	vst v63  }
0x13: {  	_ =	swait.ge [sflag:s10], $0x400  }
0x14: {  	[sflag:s10] =	ssyncset.done $0x0  }
0x15: {  	[sflag:s10] =	ssyncadd.s32 $0xFFFFFC00  }
0x16: {  	[spmem:s12], [sflag:s11] =	dma.local [hbm:s5], $0xC38  }
0x17: {  	_ =	swait.ge [sflag:s10], $0xC38  }
0x18: {  	[sflag:s10] =	ssyncset.done $0x0  }
0x19: {  	[sflag:s10] =	ssyncadd.s32 $0xFFFFF3C8  }
0x1a: {  	s22 =	sadd.s32 $0x0, s8;
	[bflag:$0x0] =	sbarrier.arrive $0xFFFF  }
0x1b: {  	[tilespmem:s4], [sflag:$0x2] =	stream.linear.gather [hbm4b:s22+s4], $0x400, $0x38;
	[tilespmem:$0x69C0] =	vst v63  }
0x1c: {  	_ =	swait.ge [sflag:s10], $0x400  }
0x1d: {  	[sflag:s10] =	ssyncset.done $0x0  }
0x1e: {  	[sflag:s10] =	ssyncadd.s32 $0xFFFFFC00  }
0x1f: {  	[spmem:s3] =	stream.indirect.scatter.add.f32 [tilespmem:s9], [sflag:$0x1], $0x8, s4, s13, $0xb8;
	[tilespmem:$0x69C0] =	vst v63  }
0x20: {  	_ = 	snop  }
0x21: {  	[spmem:s3] =	stream.indirect.scatter.add.f32 [tilespmem:s9], [sflag:$0x1], $0x8, s13, s13, $0xb8;
	[tilespmem:$0x69C0] =	vst v63  }
0x22: {  	_ = 	snop  }
0x23: {  	[spmem:s3] =	stream.indirect.scatter.add.f32 [tilespmem:s9], [sflag:$0x1], $0x8, s14, s13, $0xb8;
	[tilespmem:$0x69C0] =	vst v63  }
0x24: {  	_ = 	snop  }
0x25: {  	[spmem:s3] =	stream.indirect.scatter.add.f32 [tilespmem:s9], [sflag:$0x1], $0x8, s15, s13, $0xb8;
	[tilespmem:$0x69C0] =	vst v63  }
0x26: {  	_ = 	snop  }
0x27: {  	[spmem:s3] =	stream.indirect.scatter.add.f32 [tilespmem:s9], [sflag:$0x1], $0x8, s16, s13, $0xb8;
	[tilespmem:$0x69C0] =	vst v63  }
0x28: {  	_ = 	snop  }
0x29: {  	[spmem:s3] =	stream.indirect.scatter.add.f32 [tilespmem:s9], [sflag:$0x1], $0x8, s17, s13, $0xb8;
	[tilespmem:$0x69C0] =	vst v63  }
0x2a: {  	_ = 	snop  }
0x2b: {  	[spmem:s3] =	stream.indirect.scatter.add.f32 [tilespmem:s9], [sflag:$0x1], $0x8, s18, s13, $0xb8;
	[tilespmem:$0x69C0] =	vst v63  }
0x2c: {  	_ = 	snop  }
0x2d: {  	[spmem:s3] =	stream.indirect.scatter.add.f32 [tilespmem:s9], [sflag:$0x1], $0x8, s19, s13, $0xb8;
	[tilespmem:$0x69C0] =	vst v63  }
0x2e: {  	_ =	swait.ge [sflag:s20], $0x400  }
0x2f: {  	[sflag:s20] =	ssyncset.done $0x0  }
0x30: {  	[sflag:s20] =	ssyncadd.s32 $0xFFFFFC00  }
0x31: {  	_ =	swait.ge [sflag:s20], $0x400  }
0x32: {  	[sflag:s20] =	ssyncset.done $0x0  }
0x33: {  	[sflag:s20] =	ssyncadd.s32 $0xFFFFFC00  }
0x34: {  	_ =	swait.ge [sflag:s20], $0x400  }
0x35: {  	[sflag:s20] =	ssyncset.done $0x0  }
0x36: {  	[sflag:s20] =	ssyncadd.s32 $0xFFFFFC00  }
0x37: {  	_ =	swait.ge [sflag:s20], $0x400  }
0x38: {  	[sflag:s20] =	ssyncset.done $0x0  }
0x39: {  	[sflag:s20] =	ssyncadd.s32 $0xFFFFFC00  }
0x3a: {  	_ =	swait.ge [sflag:s20], $0x400  }
0x3b: {  	[sflag:s20] =	ssyncset.done $0x0  }
0x3c: {  	[sflag:s20] =	ssyncadd.s32 $0xFFFFFC00  }
0x3d: {  	_ =	swait.ge [sflag:s20], $0x400  }
0x3e: {  	[sflag:s20] =	ssyncset.done $0x0  }
0x3f: {  	[sflag:s20] =	ssyncadd.s32 $0xFFFFFC00  }
0x40: {  	_ =	swait.ge [sflag:s20], $0x400  }
0x41: {  	[sflag:s20] =	ssyncset.done $0x0  }
0x42: {  	[sflag:s20] =	ssyncadd.s32 $0xFFFFFC00  }
0x43: {  	_ =	swait.ge [sflag:s20], $0x400  }
0x44: {  	s24 =	simm.s32 $0x100;
	s22 =	simm.s32 $0x80;
	[sflag:s20] =	ssyncset.done $0x0  }
.LBB2_2:
0x45: {  	s25 =	sadd.s32 s22, s8  }
0x46: {  	[sflag:s20] =	ssyncadd.s32 $0xFFFFFC00;
	s22 =	smov.u32 s24;
	s23 =	sadd.s32 $0x80, s24  }
0x47: {  	[tilespmem:s4], [sflag:$0x2] =	stream.linear.gather [hbm4b:s25+s4], $0x400, $0x38;
	[tilespmem:$0x69C0] =	vst v63  }
0x48: {  	p0 =	sne.s32 s24, $0xC00;
	_ =	swait.ge [sflag:s10], $0x400  }
0x49: {  	[sflag:s10] =	ssyncset.done $0x0  }
0x4a: {  	[sflag:s10] =	ssyncadd.s32 $0xFFFFFC00  }
0x4b: {  	[spmem:s3] =	stream.indirect.scatter.add.f32 [tilespmem:s9], [sflag:$0x1], $0x8, s4, s13, $0xb8;
	[tilespmem:$0x69C0] =	vst v63  }
0x4c: {  	_ = 	snop  }
0x4d: {  	[spmem:s3] =	stream.indirect.scatter.add.f32 [tilespmem:s9], [sflag:$0x1], $0x8, s13, s13, $0xb8;
	[tilespmem:$0x69C0] =	vst v63  }
0x4e: {  	_ = 	snop  }
0x4f: {  	[spmem:s3] =	stream.indirect.scatter.add.f32 [tilespmem:s9], [sflag:$0x1], $0x8, s14, s13, $0xb8;
	[tilespmem:$0x69C0] =	vst v63  }
0x50: {  	_ = 	snop  }
0x51: {  	[spmem:s3] =	stream.indirect.scatter.add.f32 [tilespmem:s9], [sflag:$0x1], $0x8, s15, s13, $0xb8;
	[tilespmem:$0x69C0] =	vst v63  }
0x52: {  	_ = 	snop  }
0x53: {  	[spmem:s3] =	stream.indirect.scatter.add.f32 [tilespmem:s9], [sflag:$0x1], $0x8, s16, s13, $0xb8;
	[tilespmem:$0x69C0] =	vst v63  }
0x54: {  	_ = 	snop  }
0x55: {  	[spmem:s3] =	stream.indirect.scatter.add.f32 [tilespmem:s9], [sflag:$0x1], $0x8, s17, s13, $0xb8;
	[tilespmem:$0x69C0] =	vst v63  }
0x56: {  	_ = 	snop  }
0x57: {  	[spmem:s3] =	stream.indirect.scatter.add.f32 [tilespmem:s9], [sflag:$0x1], $0x8, s18, s13, $0xb8;
	[tilespmem:$0x69C0] =	vst v63  }
0x58: {  	_ = 	snop  }
0x59: {  	[spmem:s3] =	stream.indirect.scatter.add.f32 [tilespmem:s9], [sflag:$0x1], $0x8, s19, s13, $0xb8;
	[tilespmem:$0x69C0] =	vst v63  }
0x5a: {  	_ =	swait.ge [sflag:s20], $0x400  }
0x5b: {  	[sflag:s20] =	ssyncset.done $0x0  }
0x5c: {  	[sflag:s20] =	ssyncadd.s32 $0xFFFFFC00  }
0x5d: {  	_ =	swait.ge [sflag:s20], $0x400  }
0x5e: {  	[sflag:s20] =	ssyncset.done $0x0  }
0x5f: {  	[sflag:s20] =	ssyncadd.s32 $0xFFFFFC00  }
0x60: {  	_ =	swait.ge [sflag:s20], $0x400  }
0x61: {  	[sflag:s20] =	ssyncset.done $0x0  }
0x62: {  	[sflag:s20] =	ssyncadd.s32 $0xFFFFFC00  }
0x63: {  	_ =	swait.ge [sflag:s20], $0x400  }
0x64: {  	[sflag:s20] =	ssyncset.done $0x0  }
0x65: {  	[sflag:s20] =	ssyncadd.s32 $0xFFFFFC00  }
0x66: {  	_ =	swait.ge [sflag:s20], $0x400  }
0x67: {  	[sflag:s20] =	ssyncset.done $0x0  }
0x68: {  	[sflag:s20] =	ssyncadd.s32 $0xFFFFFC00  }
0x69: {  	_ =	swait.ge [sflag:s20], $0x400  }
0x6a: {  	[sflag:s20] =	ssyncset.done $0x0  }
0x6b: {  	[sflag:s20] =	ssyncadd.s32 $0xFFFFFC00  }
.Ltmp0:
0x6c: {  	_ =	swait.ge [sflag:s20], $0x400;
	(pc) =	sbr.rel @p0 .LBB2_2-.Ltmp0, $4  }
0x6d: {  	[sflag:s20] =	ssyncset.done $0x0  }
0x6e: {  	[sflag:s20] =	ssyncadd.s32 $0xFFFFFC00  }
0x6f: {  	_ =	swait.ge [sflag:s20], $0x400  }
0x70: {  	s24 =	smov.u32 s23;
	[sflag:s20] =	ssyncset.done $0x0  }
0x71: {  	s22 =	sadd.s32 s22, s8;
	[sflag:s20] =	ssyncadd.s32 $0xFFFFFC00  }
0x72: {  	[tilespmem:s4], [sflag:$0x2] =	stream.linear.gather [hbm4b:s22+s4], $0x400, $0x38;
	[tilespmem:$0x69C0] =	vst v63  }
0x73: {  	_ =	swait.ge [sflag:s10], $0x400  }
0x74: {  	[sflag:s10] =	ssyncset.done $0x0  }
0x75: {  	[sflag:s10] =	ssyncadd.s32 $0xFFFFFC00  }
0x76: {  	[spmem:s3] =	stream.indirect.scatter.add.f32 [tilespmem:s9], [sflag:$0x1], $0x8, s4, s13, $0xb8;
	[tilespmem:$0x69C0] =	vst v63  }
0x77: {  	_ = 	snop  }
0x78: {  	[spmem:s3] =	stream.indirect.scatter.add.f32 [tilespmem:s9], [sflag:$0x1], $0x8, s13, s13, $0xb8;
	[tilespmem:$0x69C0] =	vst v63  }
0x79: {  	_ = 	snop  }
0x7a: {  	[spmem:s3] =	stream.indirect.scatter.add.f32 [tilespmem:s9], [sflag:$0x1], $0x8, s14, s13, $0xb8;
	[tilespmem:$0x69C0] =	vst v63  }
0x7b: {  	_ = 	snop  }
0x7c: {  	[spmem:s3] =	stream.indirect.scatter.add.f32 [tilespmem:s9], [sflag:$0x1], $0x8, s15, s13, $0xb8;
	[tilespmem:$0x69C0] =	vst v63  }
0x7d: {  	_ = 	snop  }
0x7e: {  	[spmem:s3] =	stream.indirect.scatter.add.f32 [tilespmem:s9], [sflag:$0x1], $0x8, s16, s13, $0xb8;
	[tilespmem:$0x69C0] =	vst v63  }
0x7f: {  	_ = 	snop  }
0x80: {  	[spmem:s3] =	stream.indirect.scatter.add.f32 [tilespmem:s9], [sflag:$0x1], $0x8, s17, s13, $0xb8;
	[tilespmem:$0x69C0] =	vst v63  }
0x81: {  	_ = 	snop  }
0x82: {  	[spmem:s3] =	stream.indirect.scatter.add.f32 [tilespmem:s9], [sflag:$0x1], $0x8, s18, s13, $0xb8;
	[tilespmem:$0x69C0] =	vst v63  }
0x83: {  	_ = 	snop  }
0x84: {  	[spmem:s3] =	stream.indirect.scatter.add.f32 [tilespmem:s9], [sflag:$0x1], $0x8, s19, s13, $0xb8;
	[tilespmem:$0x69C0] =	vst v63  }
0x85: {  	_ =	swait.ge [sflag:s20], $0x400  }
0x86: {  	[sflag:s20] =	ssyncset.done $0x0  }
0x87: {  	[sflag:s20] =	ssyncadd.s32 $0xFFFFFC00  }
0x88: {  	_ =	swait.ge [sflag:s20], $0x400  }
0x89: {  	[sflag:s20] =	ssyncset.done $0x0  }
0x8a: {  	[sflag:s20] =	ssyncadd.s32 $0xFFFFFC00  }
0x8b: {  	_ =	swait.ge [sflag:s20], $0x400  }
0x8c: {  	[sflag:s20] =	ssyncset.done $0x0  }
0x8d: {  	[sflag:s20] =	ssyncadd.s32 $0xFFFFFC00  }
0x8e: {  	_ =	swait.ge [sflag:s20], $0x400  }
0x8f: {  	[sflag:s20] =	ssyncset.done $0x0  }
0x90: {  	[sflag:s20] =	ssyncadd.s32 $0xFFFFFC00  }
0x91: {  	_ =	swait.ge [sflag:s20], $0x400  }
0x92: {  	[sflag:s20] =	ssyncset.done $0x0  }
0x93: {  	[sflag:s20] =	ssyncadd.s32 $0xFFFFFC00  }
0x94: {  	_ =	swait.ge [sflag:s20], $0x400  }
0x95: {  	[sflag:s20] =	ssyncset.done $0x0  }
0x96: {  	[sflag:s20] =	ssyncadd.s32 $0xFFFFFC00  }
0x97: {  	_ =	swait.ge [sflag:s20], $0x400  }
0x98: {  	[sflag:s20] =	ssyncset.done $0x0  }
0x99: {  	[sflag:s20] =	ssyncadd.s32 $0xFFFFFC00  }
0x9a: {  	_ =	swait.ge [sflag:s20], $0x400  }
0x9b: {  	s21 =	sadd.s32 $0x1, s21;
	[sflag:s20] =	ssyncset.done $0x0  }
0x9c: {  	p0 =	sne.s32 s21, s7;
	[sflag:s20] =	ssyncadd.s32 $0xFFFFFC00  }
.Ltmp1:
0x9d: {  	[bflag:$0x0] =	sbarrier.arrive $0xFFFF;
	(pc) =	sbr.rel @p0 .LBB2_1-.Ltmp1, $4  }
0x9e: {  	[hbm:s6], [sflag:s11] =	dma.local [spmem:s12], $0xC38  }
0x9f: {  	_ =	swait.ge [sflag:s10], $0xC38  }
0xa0: {  	[sflag:s10] =	ssyncset.done $0x0  }
0xa1: {  	[sflag:s10] =	ssyncadd.s32 $0xFFFFF3C8  }
0xa2: {  	_ =	sfence.sel $0x180000  }
0xa3: {  	[bflag:$0x0] =	sbarrier.arrive $0xFFFF  }
0xa4: {  	p0 =	sne.s32 s0, $0x0;
	_ =	strace $0x9000004A  }
0xa5: {  	s0 =	sadd.s32 @!p0 $0x100000, s1;
	[bflag:$0x2] =	sbarrier.arrive $0xFFFF  }
0xa6: {  	[sflag:s0] =	ssyncadd.tile.s32 @!p0 $0x1;
	_ =	shalt  }
.Lfunc_end2:
_tile_overlayer_lowered:
.L_overlay_start_2:
0xa7: {  	(tag) =	ssettag $0x2  }
0xa8: {  	s0 =	rddreg [dreg:$0x0];
	s2 =	stileid.u32  }
0xa9: {  	s1 =	rddreg [dreg:$0x1];
	p0 =	sne.s32 s2, $0x0  }
0xaa: {  	s3 =	rddreg [dreg:$0x2];
	[bflag:$0x3] =	sbarrier.arrive $0xFFFF;
	s2 =	simm.s32 @!p0 $0x1C02  }
0xab: {  	[timem:s3], [sflag:s2] =	dma.local @!p0 [hbm:s0], s1  }
0xac: {  	s0 =	simm.s32 @!p0 $0x2  }
0xad: {  	_ =	swait.ge @!p0 [sflag:s0], s1  }
0xae: {  	s1 =	ssub.s32 @!p0 $0x0, s1;
	[sflag:s0] =	ssyncset.done @!p0 $0x0  }
0xaf: {  	[sflag:s0] =	ssyncadd.s32 @!p0 s1  }
0xb0: {  	[bflag:$0x3] =	sbarrier.arrive $0xFFFF  }
0xb1: {  	_ =	shalt  }

</sc_bundles>
